<compile_context>
chip_gen: v7x
topology: tpu7x:2x2x1
jax: 0.10.2.dev20260603
libtpu: 0.0.44.dev20260713+nightly
codegen_flags: <defaults>
</compile_context>

<pallas_src>
import jax
import jax.numpy as jnp
from jax import lax
from jax.experimental import pallas as pl
from jax.experimental.pallas import tpu as pltpu
from jax.experimental.pallas import tpu_sc as plsc

_ITEM_NUM = 1000000
_USER_NUM = 100000
_IH = 48
_UH = 16
_OH = _IH + _UH
_SSE_PROB = 0.08
_B = 4096
_L = 200

_NC = 2
_NS = 16
_NW = _NC * _NS
_B_PER_W = _B // _NW
_CB = 2
_R = _CB * _L
_NCHUNK = _B_PER_W // _CB
_ROWS_PER_W = _B_PER_W * _L
_NBUF = 3


def _sse_uids(user_ids):
    key = jax.random.key(42)
    ku, kr = jax.random.split(key)
    probs = jax.random.uniform(ku, user_ids.shape)
    rand_ids = jax.random.randint(kr, user_ids.shape, 1, _USER_NUM + 1)
    rand_ids = rand_ids.astype(user_ids.dtype)
    return jnp.where(probs < _SSE_PROB, rand_ids, user_ids)


def _body(seqs_hbm, uidx_hbm, item_hbm, user_hbm, out_hbm,
          idxi_v, uidx_v, ulocal_v, itm_v, ubuf_v, gsems, wsems):
    wid = lax.axis_index("s") * _NC + lax.axis_index("c")
    base_row = wid * _ROWS_PER_W

    pltpu.sync_copy(seqs_hbm.at[pl.ds(base_row, _ROWS_PER_W)], idxi_v)
    pltpu.sync_copy(uidx_hbm.at[pl.ds(wid * _B_PER_W, _B_PER_W)], uidx_v)
    pltpu.async_copy(user_hbm.at[uidx_v], ulocal_v, gsems.at[0, 0]).wait()

    _SPLITS = (0, 104, 208, 304, _R)
    _NSTR = len(_SPLITS) - 1

    def fire(ci, k):
        off = ci * _R
        for s in range(_NSTR):
            o, n = _SPLITS[s], _SPLITS[s + 1] - _SPLITS[s]
            pltpu.async_copy(
                item_hbm.at[idxi_v.at[pl.ds(off + o, n)]],
                itm_v.at[k, pl.ds(o, n)], gsems.at[k, s])

    def wait_gather(ci, k):
        off = ci * _R
        for s in range(_NSTR):
            o, n = _SPLITS[s], _SPLITS[s + 1] - _SPLITS[s]
            pltpu.make_async_copy(
                item_hbm.at[idxi_v.at[pl.ds(off + o, n)]],
                itm_v.at[k, pl.ds(o, n)], gsems.at[k, s]).wait()

    def assemble(ci, k):
        for half in range(_CB):
            uvec = ulocal_v[ci * _CB + half, :]

            def row_body(r, carry):
                ubuf_v[k, half * _L + r, :] = uvec
                return carry

            lax.fori_loop(0, _L, row_body, 0)

    def fire_write(ci, k):
        row0 = base_row + ci * _R
        pltpu.async_copy(itm_v.at[k],
                         out_hbm.at[pl.ds(row0, _R), pl.ds(0, _IH)],
                         wsems.at[k, 0])
        pltpu.async_copy(ubuf_v.at[k],
                         out_hbm.at[pl.ds(row0, _R), pl.ds(_IH, _UH)],
                         wsems.at[k, 1])

    def wait_write(ci, k):
        row0 = base_row + ci * _R
        pltpu.make_async_copy(itm_v.at[k],
                              out_hbm.at[pl.ds(row0, _R), pl.ds(0, _IH)],
                              wsems.at[k, 0]).wait()
        pltpu.make_async_copy(ubuf_v.at[k],
                              out_hbm.at[pl.ds(row0, _R), pl.ds(_IH, _UH)],
                              wsems.at[k, 1]).wait()

    for k in range(_NBUF):
        fire(k, k)

    def group_body(g, carry):
        for k in range(_NBUF):
            ci = g * _NBUF + k

            wait_gather(ci, k)
            assemble(ci, k)
            fire_write(ci, k)

            wait_write(ci, k)

            @pl.when(ci + _NBUF < _NCHUNK)
            def _():
                fire(ci + _NBUF, k)
        return carry

    lax.fori_loop(0, _NCHUNK // _NBUF, group_body, 0)

    for ci in range((_NCHUNK // _NBUF) * _NBUF, _NCHUNK):
        k = ci % _NBUF
        wait_gather(ci, k)
        assemble(ci, k)
        fire_write(ci, k)
        wait_write(ci, k)


@jax.jit
def _sc_embed(seqs1d, uidx, item_table, user_table):
    mesh = plsc.VectorSubcoreMesh(core_axis_name="c", subcore_axis_name="s")
    f = pl.kernel(
        _body,
        out_type=jax.ShapeDtypeStruct((_B * _L, _OH), jnp.float32),
        mesh=mesh,
        scratch_types=[
            pltpu.VMEM((_ROWS_PER_W,), jnp.int32),
            pltpu.VMEM((_B_PER_W,), jnp.int32),
            pltpu.VMEM((_B_PER_W, _UH), jnp.float32),
            pltpu.VMEM((_NBUF, _R, _IH), jnp.float32),
            pltpu.VMEM((_NBUF, _R, _UH), jnp.float32),
            pltpu.SemaphoreType.DMA((_NBUF, 4)),
            pltpu.SemaphoreType.DMA((_NBUF, 2)),
        ],
        compiler_params=pltpu.CompilerParams(use_tc_tiling_on_sc=False),
    )
    return f(seqs1d, uidx, item_table, user_table)


def kernel(log_seqs, user_ids, item_table, user_table):
    uids = _sse_uids(user_ids).astype(jnp.int32)
    seqs1d = log_seqs.reshape(-1).astype(jnp.int32)
    item2d = jax.lax.optimization_barrier(jnp.swapaxes(item_table, 0, 1))
    item2d = jnp.swapaxes(item2d, 0, 1)
    user2d = jax.lax.optimization_barrier(jnp.swapaxes(user_table, 0, 1))
    user2d = jnp.swapaxes(user2d, 0, 1)
    out2d = _sc_embed(seqs1d, uids, item2d, user2d)
    return out2d.reshape(_B, _L, _OH)

# --- scband reference (transcript-rebuilt; emitter-appended) ---
"""Pipeline reference for scband-sseptembedding-52123723104479 (READ-ONLY COPY).

The authoritative reference and input builder live on the scoring server;
editing this copy changes nothing except your own understanding.
"""

import jax, jax.numpy as jnp
import numpy as np

ITEM_NUM = 1000000
USER_NUM = 100000
IH = 48
UH = 16
SSE_PROB = 0.08
B = 4096
L = 200


def setup_inputs(seed: int = 0) -> dict:
    key = jax.random.key(seed)
    k1, k2, k3, k4 = jax.random.split(key, 4)
    log_seqs = jax.random.randint(k1, (B, L), 0, ITEM_NUM, dtype=jnp.int64) if jax.config.jax_enable_x64 else jax.random.randint(k1, (B, L), 0, ITEM_NUM).astype(jnp.int32)
    user_ids = jax.random.randint(k2, (B,), 0, USER_NUM).astype(jnp.int32)
    item_table = (jax.random.normal(k3, (ITEM_NUM + 1, IH), dtype=jnp.float32) * 0.02).at[0].set(0.0)
    user_table = (jax.random.normal(k4, (USER_NUM + 1, UH), dtype=jnp.float32) * 0.02).at[0].set(0.0)
    return {"log_seqs": log_seqs, "user_ids": user_ids, "item_table": item_table, "user_table": user_table}


def sse_mask(user_ids):
    # Stochastic Shared Embedding: replace user id with random id with prob SSE_PROB
    key = jax.random.key(42)
    ku, kr = jax.random.split(key)
    probs = jax.random.uniform(ku, user_ids.shape)
    rand_ids = jax.random.randint(kr, user_ids.shape, 1, USER_NUM + 1).astype(user_ids.dtype)
    return jnp.where(probs < SSE_PROB, rand_ids, user_ids)


def reference(log_seqs, user_ids, item_table, user_table):
    # mode='train'
    item_rep = jnp.take(item_table, log_seqs, axis=0)              # [B, L, IH]
    uids = sse_mask(user_ids)
    u = jnp.take(user_table, uids, axis=0)                          # [B, UH]
    user_rep = jnp.broadcast_to(u[:, None, :], (item_rep.shape[0], item_rep.shape[1], UH))  # [B, L, UH]
    seqs = jnp.concatenate([item_rep, user_rep], axis=-1)           # [B, L, IH+UH]
    return seqs

if __name__ == "__main__":
    import jax
    _d = setup_inputs()
    print(jax.jit(kernel)(*tuple(_d.values())))

</pallas_src>

<mosaic_0001>
#map = affine_map<(d0, d1) -> (0)>
#map1 = affine_map<(d0, d1) -> (0, 0)>
module attributes {stable_mosaic.version = 14 : i64} {
  func.func @_body(%arg0: i32, %arg1: i32, %arg2: memref<819200xi32, #tpu.memory_space<hbm>>, %arg3: memref<4096xi32, #tpu.memory_space<hbm>>, %arg4: memref<1000001x48xf32, #tpu.memory_space<hbm>>, %arg5: memref<100001x16xf32, #tpu.memory_space<hbm>>, %arg6: memref<819200x64xf32, #tpu.memory_space<hbm>>, %arg7: memref<25600xi32, #tpu.memory_space<vmem>>, %arg8: memref<128xi32, #tpu.memory_space<vmem>>, %arg9: memref<128x16xf32, #tpu.memory_space<vmem>>, %arg10: memref<3x400x48xf32, #tpu.memory_space<vmem>>, %arg11: memref<3x400x16xf32, #tpu.memory_space<vmem>>, %arg12: memref<3x4x!tpu.dma_semaphore, #tpu.memory_space<semaphore_mem>>, %arg13: memref<3x2x!tpu.dma_semaphore, #tpu.memory_space<semaphore_mem>>) attributes {dimension_semantics = [#tpu.dimension_semantics<core_parallel>, #tpu.dimension_semantics<subcore_parallel>], iteration_bounds = array<i64: 2, 16>, scalar_prefetch = 0 : i64, scratch_operands = 7 : i64, tpu.core_type = #tpu.core_type<sc_vector_subcore>, window_params = [{transform_indices = #map}, {transform_indices = #map}, {transform_indices = #map1}, {transform_indices = #map1}, {transform_indices = #map1}]} {
    %mul3A = arith.constant 2 : i32
    %mul3A_0 = arith.muli %arg1, %mul3A : i32
    %add3A = arith.addi %mul3A_0, %arg0 : i32
    %mul3A_1 = arith.constant 25600 : i32
    %mul3A_2 = arith.muli %add3A, %mul3A_1 : i32
    "tpu.region"() ({
      %run_scoped3A = tpu.sem_alloc : memref<!tpu.dma_semaphore, #tpu.memory_space<semaphore_mem>>
      %dma_start3A_339 = tpu.memref_slice %arg2[%mul3A_2] : memref<819200xi32, #tpu.memory_space<hbm>> -> memref<25600xi32, #tpu.memory_space<hbm>>
      %dma_start3A_340 = tpu.memref_slice %arg2[%mul3A_2] : memref<819200xi32, #tpu.memory_space<hbm>> -> memref<25600xi32, #tpu.memory_space<hbm>>
      tpu.enqueue_dma source(%dma_start3A_340 : memref<25600xi32, #tpu.memory_space<hbm>>) target(%arg7 : memref<25600xi32, #tpu.memory_space<vmem>>) target_semaphore(%run_scoped3A : memref<!tpu.dma_semaphore, #tpu.memory_space<semaphore_mem>>)
      %dma_wait3A_341 = tpu.memref_slice %arg2[%mul3A_2] : memref<819200xi32, #tpu.memory_space<hbm>> -> memref<25600xi32, #tpu.memory_space<hbm>>
      %dma_wait3A_342 = tpu.memref_slice %arg2[%mul3A_2] : memref<819200xi32, #tpu.memory_space<hbm>> -> memref<25600xi32, #tpu.memory_space<hbm>>
      tpu.wait_dma2 semaphore(%run_scoped3A : memref<!tpu.dma_semaphore, #tpu.memory_space<semaphore_mem>>) src(%dma_wait3A_342 : memref<25600xi32, #tpu.memory_space<hbm>>) dst(%arg7 : memref<25600xi32, #tpu.memory_space<vmem>>)
      tpu.yield
    }) : () -> ()
    %mul3A_3 = arith.constant 128 : i32
    %mul3A_4 = arith.muli %add3A, %mul3A_3 : i32
    "tpu.region"() ({
      %run_scoped3A = tpu.sem_alloc : memref<!tpu.dma_semaphore, #tpu.memory_space<semaphore_mem>>
      %dma_start3A_339 = tpu.memref_slice %arg3[%mul3A_4] : memref<4096xi32, #tpu.memory_space<hbm>> -> memref<128xi32, #tpu.memory_space<hbm>>
      %dma_start3A_340 = tpu.memref_slice %arg3[%mul3A_4] : memref<4096xi32, #tpu.memory_space<hbm>> -> memref<128xi32, #tpu.memory_space<hbm>>
      tpu.enqueue_dma source(%dma_start3A_340 : memref<128xi32, #tpu.memory_space<hbm>>) target(%arg8 : memref<128xi32, #tpu.memory_space<vmem>>) target_semaphore(%run_scoped3A : memref<!tpu.dma_semaphore, #tpu.memory_space<semaphore_mem>>)
      %dma_wait3A_341 = tpu.memref_slice %arg3[%mul3A_4] : memref<4096xi32, #tpu.memory_space<hbm>> -> memref<128xi32, #tpu.memory_space<hbm>>
      %dma_wait3A_342 = tpu.memref_slice %arg3[%mul3A_4] : memref<4096xi32, #tpu.memory_space<hbm>> -> memref<128xi32, #tpu.memory_space<hbm>>
      tpu.wait_dma2 semaphore(%run_scoped3A : memref<!tpu.dma_semaphore, #tpu.memory_space<semaphore_mem>>) src(%dma_wait3A_342 : memref<128xi32, #tpu.memory_space<hbm>>) dst(%arg8 : memref<128xi32, #tpu.memory_space<vmem>>)
      tpu.yield
    }) : () -> ()
    %dma_start3A = arith.constant 0 : i32
    %dma_start3A_5 = arith.constant 0 : i32
    %dma_start3A_6 = arith.constant 0 : i32
    %dma_start3A_7 = arith.constant 0 : i32
    %dma_start3A_8 = tpu.memref_slice %arg5[%dma_start3A_6, %dma_start3A_7] : memref<100001x16xf32, #tpu.memory_space<hbm>> -> memref<100001x16xf32, #tpu.memory_space<hbm>>
    %dma_start3A_9 = tpu.memref_slice %arg12[%dma_start3A, %dma_start3A_5] : memref<3x4x!tpu.dma_semaphore, #tpu.memory_space<semaphore_mem>> -> memref<1x1x!tpu.dma_semaphore, #tpu.memory_space<semaphore_mem>>
    %dma_start3A_10 = tpu.memref_squeeze %dma_start3A_9 : memref<1x1x!tpu.dma_semaphore, #tpu.memory_space<semaphore_mem>> -> memref<!tpu.dma_semaphore, #tpu.memory_space<semaphore_mem>>
    tpu.enqueue_indirect_dma source(%dma_start3A_8 : memref<100001x16xf32, #tpu.memory_space<hbm>>) target(%arg9 : memref<128x16xf32, #tpu.memory_space<vmem>>) offsets(%arg8 : memref<128xi32, #tpu.memory_space<vmem>>) semaphore(%dma_start3A_10 : memref<!tpu.dma_semaphore, #tpu.memory_space<semaphore_mem>>)
    %dma_wait3A = arith.constant 0 : i32
    %dma_wait3A_11 = arith.constant 0 : i32
    %dma_wait3A_12 = arith.constant 0 : i32
    %dma_wait3A_13 = arith.constant 0 : i32
    %dma_wait3A_14 = tpu.memref_slice %arg5[%dma_wait3A_12, %dma_wait3A_13] : memref<100001x16xf32, #tpu.memory_space<hbm>> -> memref<100001x16xf32, #tpu.memory_space<hbm>>
    %dma_wait3A_15 = tpu.memref_slice %arg12[%dma_wait3A, %dma_wait3A_11] : memref<3x4x!tpu.dma_semaphore, #tpu.memory_space<semaphore_mem>> -> memref<1x1x!tpu.dma_semaphore, #tpu.memory_space<semaphore_mem>>
    %dma_wait3A_16 = tpu.memref_squeeze %dma_wait3A_15 : memref<1x1x!tpu.dma_semaphore, #tpu.memory_space<semaphore_mem>> -> memref<!tpu.dma_semaphore, #tpu.memory_space<semaphore_mem>>
    tpu.wait_indirect_dma semaphore(%dma_wait3A_16 : memref<!tpu.dma_semaphore, #tpu.memory_space<semaphore_mem>>) src(%dma_wait3A_14 : memref<100001x16xf32, #tpu.memory_space<hbm>>) dst(%arg9 : memref<128x16xf32, #tpu.memory_space<vmem>>)
    %dma_start3A_17 = arith.constant 0 : i32
    %dma_start3A_18 = arith.constant 0 : i32
    %dma_start3A_19 = arith.constant 0 : i32
    %dma_start3A_20 = arith.constant 0 : i32
    %dma_start3A_21 = arith.constant 0 : i32
    %dma_start3A_22 = tpu.memref_slice %arg10[%dma_start3A_17, %dma_start3A_20, %dma_start3A_21] : memref<3x400x48xf32, #tpu.memory_space<vmem>> -> memref<1x104x48xf32, #tpu.memory_space<vmem>>
    %dma_start3A_23 = tpu.memref_squeeze %dma_start3A_22 : memref<1x104x48xf32, #tpu.memory_space<vmem>> -> memref<104x48xf32, #tpu.memory_space<vmem>>
    %dma_start3A_24 = arith.constant 0 : i32
    %dma_start3A_25 = tpu.memref_slice %arg7[%dma_start3A_24] : memref<25600xi32, #tpu.memory_space<vmem>> -> memref<104xi32, #tpu.memory_space<vmem>>
    %dma_start3A_26 = arith.constant 0 : i32
    %dma_start3A_27 = arith.constant 0 : i32
    %dma_start3A_28 = tpu.memref_slice %arg4[%dma_start3A_26, %dma_start3A_27] : memref<1000001x48xf32, #tpu.memory_space<hbm>> -> memref<1000001x48xf32, #tpu.memory_space<hbm>>
    %dma_start3A_29 = tpu.memref_slice %arg12[%dma_start3A_18, %dma_start3A_19] : memref<3x4x!tpu.dma_semaphore, #tpu.memory_space<semaphore_mem>> -> memref<1x1x!tpu.dma_semaphore, #tpu.memory_space<semaphore_mem>>
    %dma_start3A_30 = tpu.memref_squeeze %dma_start3A_29 : memref<1x1x!tpu.dma_semaphore, #tpu.memory_space<semaphore_mem>> -> memref<!tpu.dma_semaphore, #tpu.memory_space<semaphore_mem>>
    tpu.enqueue_indirect_dma source(%dma_start3A_28 : memref<1000001x48xf32, #tpu.memory_space<hbm>>) target(%dma_start3A_23 : memref<104x48xf32, #tpu.memory_space<vmem>>) offsets(%dma_start3A_25 : memref<104xi32, #tpu.memory_space<vmem>>) semaphore(%dma_start3A_30 : memref<!tpu.dma_semaphore, #tpu.memory_space<semaphore_mem>>)
    %dma_start3A_31 = arith.constant 0 : i32
    %dma_start3A_32 = arith.constant 0 : i32
    %dma_start3A_33 = arith.constant 1 : i32
    %dma_start3A_34 = arith.constant 104 : i32
    %dma_start3A_35 = arith.constant 0 : i32
    %dma_start3A_36 = tpu.memref_slice %arg10[%dma_start3A_31, %dma_start3A_34, %dma_start3A_35] : memref<3x400x48xf32, #tpu.memory_space<vmem>> -> memref<1x104x48xf32, #tpu.memory_space<vmem>>
    %dma_start3A_37 = tpu.memref_squeeze %dma_start3A_36 : memref<1x104x48xf32, #tpu.memory_space<vmem>> -> memref<104x48xf32, #tpu.memory_space<vmem>>
    %dma_start3A_38 = arith.constant 104 : i32
    %dma_start3A_39 = tpu.memref_slice %arg7[%dma_start3A_38] : memref<25600xi32, #tpu.memory_space<vmem>> -> memref<104xi32, #tpu.memory_space<vmem>>
    %dma_start3A_40 = arith.constant 0 : i32
    %dma_start3A_41 = arith.constant 0 : i32
    %dma_start3A_42 = tpu.memref_slice %arg4[%dma_start3A_40, %dma_start3A_41] : memref<1000001x48xf32, #tpu.memory_space<hbm>> -> memref<1000001x48xf32, #tpu.memory_space<hbm>>
    %dma_start3A_43 = tpu.memref_slice %arg12[%dma_start3A_32, %dma_start3A_33] : memref<3x4x!tpu.dma_semaphore, #tpu.memory_space<semaphore_mem>> -> memref<1x1x!tpu.dma_semaphore, #tpu.memory_space<semaphore_mem>>
    %dma_start3A_44 = tpu.memref_squeeze %dma_start3A_43 : memref<1x1x!tpu.dma_semaphore, #tpu.memory_space<semaphore_mem>> -> memref<!tpu.dma_semaphore, #tpu.memory_space<semaphore_mem>>
    tpu.enqueue_indirect_dma source(%dma_start3A_42 : memref<1000001x48xf32, #tpu.memory_space<hbm>>) target(%dma_start3A_37 : memref<104x48xf32, #tpu.memory_space<vmem>>) offsets(%dma_start3A_39 : memref<104xi32, #tpu.memory_space<vmem>>) semaphore(%dma_start3A_44 : memref<!tpu.dma_semaphore, #tpu.memory_space<semaphore_mem>>)
    %dma_start3A_45 = arith.constant 0 : i32
    %dma_start3A_46 = arith.constant 0 : i32
    %dma_start3A_47 = arith.constant 2 : i32
    %dma_start3A_48 = arith.constant 208 : i32
    %dma_start3A_49 = arith.constant 0 : i32
    %dma_start3A_50 = tpu.memref_slice %arg10[%dma_start3A_45, %dma_start3A_48, %dma_start3A_49] : memref<3x400x48xf32, #tpu.memory_space<vmem>> -> memref<1x96x48xf32, #tpu.memory_space<vmem>>
    %dma_start3A_51 = tpu.memref_squeeze %dma_start3A_50 : memref<1x96x48xf32, #tpu.memory_space<vmem>> -> memref<96x48xf32, #tpu.memory_space<vmem>>
    %dma_start3A_52 = arith.constant 208 : i32
    %dma_start3A_53 = tpu.memref_slice %arg7[%dma_start3A_52] : memref<25600xi32, #tpu.memory_space<vmem>> -> memref<96xi32, #tpu.memory_space<vmem>>
    %dma_start3A_54 = arith.constant 0 : i32
    %dma_start3A_55 = arith.constant 0 : i32
    %dma_start3A_56 = tpu.memref_slice %arg4[%dma_start3A_54, %dma_start3A_55] : memref<1000001x48xf32, #tpu.memory_space<hbm>> -> memref<1000001x48xf32, #tpu.memory_space<hbm>>
    %dma_start3A_57 = tpu.memref_slice %arg12[%dma_start3A_46, %dma_start3A_47] : memref<3x4x!tpu.dma_semaphore, #tpu.memory_space<semaphore_mem>> -> memref<1x1x!tpu.dma_semaphore, #tpu.memory_space<semaphore_mem>>
    %dma_start3A_58 = tpu.memref_squeeze %dma_start3A_57 : memref<1x1x!tpu.dma_semaphore, #tpu.memory_space<semaphore_mem>> -> memref<!tpu.dma_semaphore, #tpu.memory_space<semaphore_mem>>
    tpu.enqueue_indirect_dma source(%dma_start3A_56 : memref<1000001x48xf32, #tpu.memory_space<hbm>>) target(%dma_start3A_51 : memref<96x48xf32, #tpu.memory_space<vmem>>) offsets(%dma_start3A_53 : memref<96xi32, #tpu.memory_space<vmem>>) semaphore(%dma_start3A_58 : memref<!tpu.dma_semaphore, #tpu.memory_space<semaphore_mem>>)
    %dma_start3A_59 = arith.constant 0 : i32
    %dma_start3A_60 = arith.constant 0 : i32
    %dma_start3A_61 = arith.constant 3 : i32
    %dma_start3A_62 = arith.constant 304 : i32
    %dma_start3A_63 = arith.constant 0 : i32
    %dma_start3A_64 = tpu.memref_slice %arg10[%dma_start3A_59, %dma_start3A_62, %dma_start3A_63] : memref<3x400x48xf32, #tpu.memory_space<vmem>> -> memref<1x96x48xf32, #tpu.memory_space<vmem>>
    %dma_start3A_65 = tpu.memref_squeeze %dma_start3A_64 : memref<1x96x48xf32, #tpu.memory_space<vmem>> -> memref<96x48xf32, #tpu.memory_space<vmem>>
    %dma_start3A_66 = arith.constant 304 : i32
    %dma_start3A_67 = tpu.memref_slice %arg7[%dma_start3A_66] : memref<25600xi32, #tpu.memory_space<vmem>> -> memref<96xi32, #tpu.memory_space<vmem>>
    %dma_start3A_68 = arith.constant 0 : i32
    %dma_start3A_69 = arith.constant 0 : i32
    %dma_start3A_70 = tpu.memref_slice %arg4[%dma_start3A_68, %dma_start3A_69] : memref<1000001x48xf32, #tpu.memory_space<hbm>> -> memref<1000001x48xf32, #tpu.memory_space<hbm>>
    %dma_start3A_71 = tpu.memref_slice %arg12[%dma_start3A_60, %dma_start3A_61] : memref<3x4x!tpu.dma_semaphore, #tpu.memory_space<semaphore_mem>> -> memref<1x1x!tpu.dma_semaphore, #tpu.memory_space<semaphore_mem>>
    %dma_start3A_72 = tpu.memref_squeeze %dma_start3A_71 : memref<1x1x!tpu.dma_semaphore, #tpu.memory_space<semaphore_mem>> -> memref<!tpu.dma_semaphore, #tpu.memory_space<semaphore_mem>>
    tpu.enqueue_indirect_dma source(%dma_start3A_70 : memref<1000001x48xf32, #tpu.memory_space<hbm>>) target(%dma_start3A_65 : memref<96x48xf32, #tpu.memory_space<vmem>>) offsets(%dma_start3A_67 : memref<96xi32, #tpu.memory_space<vmem>>) semaphore(%dma_start3A_72 : memref<!tpu.dma_semaphore, #tpu.memory_space<semaphore_mem>>)
    %dma_start3A_73 = arith.constant 1 : i32
    %dma_start3A_74 = arith.constant 1 : i32
    %dma_start3A_75 = arith.constant 0 : i32
    %dma_start3A_76 = arith.constant 0 : i32
    %dma_start3A_77 = arith.constant 0 : i32
    %dma_start3A_78 = tpu.memref_slice %arg10[%dma_start3A_73, %dma_start3A_76, %dma_start3A_77] : memref<3x400x48xf32, #tpu.memory_space<vmem>> -> memref<1x104x48xf32, #tpu.memory_space<vmem>>
    %dma_start3A_79 = tpu.memref_squeeze %dma_start3A_78 : memref<1x104x48xf32, #tpu.memory_space<vmem>> -> memref<104x48xf32, #tpu.memory_space<vmem>>
    %dma_start3A_80 = arith.constant 400 : i32
    %dma_start3A_81 = tpu.memref_slice %arg7[%dma_start3A_80] : memref<25600xi32, #tpu.memory_space<vmem>> -> memref<104xi32, #tpu.memory_space<vmem>>
    %dma_start3A_82 = arith.constant 0 : i32
    %dma_start3A_83 = arith.constant 0 : i32
    %dma_start3A_84 = tpu.memref_slice %arg4[%dma_start3A_82, %dma_start3A_83] : memref<1000001x48xf32, #tpu.memory_space<hbm>> -> memref<1000001x48xf32, #tpu.memory_space<hbm>>
    %dma_start3A_85 = tpu.memref_slice %arg12[%dma_start3A_74, %dma_start3A_75] : memref<3x4x!tpu.dma_semaphore, #tpu.memory_space<semaphore_mem>> -> memref<1x1x!tpu.dma_semaphore, #tpu.memory_space<semaphore_mem>>
    %dma_start3A_86 = tpu.memref_squeeze %dma_start3A_85 : memref<1x1x!tpu.dma_semaphore, #tpu.memory_space<semaphore_mem>> -> memref<!tpu.dma_semaphore, #tpu.memory_space<semaphore_mem>>
    tpu.enqueue_indirect_dma source(%dma_start3A_84 : memref<1000001x48xf32, #tpu.memory_space<hbm>>) target(%dma_start3A_79 : memref<104x48xf32, #tpu.memory_space<vmem>>) offsets(%dma_start3A_81 : memref<104xi32, #tpu.memory_space<vmem>>) semaphore(%dma_start3A_86 : memref<!tpu.dma_semaphore, #tpu.memory_space<semaphore_mem>>)
    %dma_start3A_87 = arith.constant 1 : i32
    %dma_start3A_88 = arith.constant 1 : i32
    %dma_start3A_89 = arith.constant 1 : i32
    %dma_start3A_90 = arith.constant 104 : i32
    %dma_start3A_91 = arith.constant 0 : i32
    %dma_start3A_92 = tpu.memref_slice %arg10[%dma_start3A_87, %dma_start3A_90, %dma_start3A_91] : memref<3x400x48xf32, #tpu.memory_space<vmem>> -> memref<1x104x48xf32, #tpu.memory_space<vmem>>
    %dma_start3A_93 = tpu.memref_squeeze %dma_start3A_92 : memref<1x104x48xf32, #tpu.memory_space<vmem>> -> memref<104x48xf32, #tpu.memory_space<vmem>>
    %dma_start3A_94 = arith.constant 504 : i32
    %dma_start3A_95 = tpu.memref_slice %arg7[%dma_start3A_94] : memref<25600xi32, #tpu.memory_space<vmem>> -> memref<104xi32, #tpu.memory_space<vmem>>
    %dma_start3A_96 = arith.constant 0 : i32
    %dma_start3A_97 = arith.constant 0 : i32
    %dma_start3A_98 = tpu.memref_slice %arg4[%dma_start3A_96, %dma_start3A_97] : memref<1000001x48xf32, #tpu.memory_space<hbm>> -> memref<1000001x48xf32, #tpu.memory_space<hbm>>
    %dma_start3A_99 = tpu.memref_slice %arg12[%dma_start3A_88, %dma_start3A_89] : memref<3x4x!tpu.dma_semaphore, #tpu.memory_space<semaphore_mem>> -> memref<1x1x!tpu.dma_semaphore, #tpu.memory_space<semaphore_mem>>
    %dma_start3A_100 = tpu.memref_squeeze %dma_start3A_99 : memref<1x1x!tpu.dma_semaphore, #tpu.memory_space<semaphore_mem>> -> memref<!tpu.dma_semaphore, #tpu.memory_space<semaphore_mem>>
    tpu.enqueue_indirect_dma source(%dma_start3A_98 : memref<1000001x48xf32, #tpu.memory_space<hbm>>) target(%dma_start3A_93 : memref<104x48xf32, #tpu.memory_space<vmem>>) offsets(%dma_start3A_95 : memref<104xi32, #tpu.memory_space<vmem>>) semaphore(%dma_start3A_100 : memref<!tpu.dma_semaphore, #tpu.memory_space<semaphore_mem>>)
    %dma_start3A_101 = arith.constant 1 : i32
    %dma_start3A_102 = arith.constant 1 : i32
    %dma_start3A_103 = arith.constant 2 : i32
    %dma_start3A_104 = arith.constant 208 : i32
    %dma_start3A_105 = arith.constant 0 : i32
    %dma_start3A_106 = tpu.memref_slice %arg10[%dma_start3A_101, %dma_start3A_104, %dma_start3A_105] : memref<3x400x48xf32, #tpu.memory_space<vmem>> -> memref<1x96x48xf32, #tpu.memory_space<vmem>>
    %dma_start3A_107 = tpu.memref_squeeze %dma_start3A_106 : memref<1x96x48xf32, #tpu.memory_space<vmem>> -> memref<96x48xf32, #tpu.memory_space<vmem>>
    %dma_start3A_108 = arith.constant 608 : i32
    %dma_start3A_109 = tpu.memref_slice %arg7[%dma_start3A_108] : memref<25600xi32, #tpu.memory_space<vmem>> -> memref<96xi32, #tpu.memory_space<vmem>>
    %dma_start3A_110 = arith.constant 0 : i32
    %dma_start3A_111 = arith.constant 0 : i32
    %dma_start3A_112 = tpu.memref_slice %arg4[%dma_start3A_110, %dma_start3A_111] : memref<1000001x48xf32, #tpu.memory_space<hbm>> -> memref<1000001x48xf32, #tpu.memory_space<hbm>>
    %dma_start3A_113 = tpu.memref_slice %arg12[%dma_start3A_102, %dma_start3A_103] : memref<3x4x!tpu.dma_semaphore, #tpu.memory_space<semaphore_mem>> -> memref<1x1x!tpu.dma_semaphore, #tpu.memory_space<semaphore_mem>>
    %dma_start3A_114 = tpu.memref_squeeze %dma_start3A_113 : memref<1x1x!tpu.dma_semaphore, #tpu.memory_space<semaphore_mem>> -> memref<!tpu.dma_semaphore, #tpu.memory_space<semaphore_mem>>
    tpu.enqueue_indirect_dma source(%dma_start3A_112 : memref<1000001x48xf32, #tpu.memory_space<hbm>>) target(%dma_start3A_107 : memref<96x48xf32, #tpu.memory_space<vmem>>) offsets(%dma_start3A_109 : memref<96xi32, #tpu.memory_space<vmem>>) semaphore(%dma_start3A_114 : memref<!tpu.dma_semaphore, #tpu.memory_space<semaphore_mem>>)
    %dma_start3A_115 = arith.constant 1 : i32
    %dma_start3A_116 = arith.constant 1 : i32
    %dma_start3A_117 = arith.constant 3 : i32
    %dma_start3A_118 = arith.constant 304 : i32
    %dma_start3A_119 = arith.constant 0 : i32
    %dma_start3A_120 = tpu.memref_slice %arg10[%dma_start3A_115, %dma_start3A_118, %dma_start3A_119] : memref<3x400x48xf32, #tpu.memory_space<vmem>> -> memref<1x96x48xf32, #tpu.memory_space<vmem>>
    %dma_start3A_121 = tpu.memref_squeeze %dma_start3A_120 : memref<1x96x48xf32, #tpu.memory_space<vmem>> -> memref<96x48xf32, #tpu.memory_space<vmem>>
    %dma_start3A_122 = arith.constant 704 : i32
    %dma_start3A_123 = tpu.memref_slice %arg7[%dma_start3A_122] : memref<25600xi32, #tpu.memory_space<vmem>> -> memref<96xi32, #tpu.memory_space<vmem>>
    %dma_start3A_124 = arith.constant 0 : i32
    %dma_start3A_125 = arith.constant 0 : i32
    %dma_start3A_126 = tpu.memref_slice %arg4[%dma_start3A_124, %dma_start3A_125] : memref<1000001x48xf32, #tpu.memory_space<hbm>> -> memref<1000001x48xf32, #tpu.memory_space<hbm>>
    %dma_start3A_127 = tpu.memref_slice %arg12[%dma_start3A_116, %dma_start3A_117] : memref<3x4x!tpu.dma_semaphore, #tpu.memory_space<semaphore_mem>> -> memref<1x1x!tpu.dma_semaphore, #tpu.memory_space<semaphore_mem>>
    %dma_start3A_128 = tpu.memref_squeeze %dma_start3A_127 : memref<1x1x!tpu.dma_semaphore, #tpu.memory_space<semaphore_mem>> -> memref<!tpu.dma_semaphore, #tpu.memory_space<semaphore_mem>>
    tpu.enqueue_indirect_dma source(%dma_start3A_126 : memref<1000001x48xf32, #tpu.memory_space<hbm>>) target(%dma_start3A_121 : memref<96x48xf32, #tpu.memory_space<vmem>>) offsets(%dma_start3A_123 : memref<96xi32, #tpu.memory_space<vmem>>) semaphore(%dma_start3A_128 : memref<!tpu.dma_semaphore, #tpu.memory_space<semaphore_mem>>)
    %dma_start3A_129 = arith.constant 2 : i32
    %dma_start3A_130 = arith.constant 2 : i32
    %dma_start3A_131 = arith.constant 0 : i32
    %dma_start3A_132 = arith.constant 0 : i32
    %dma_start3A_133 = arith.constant 0 : i32
    %dma_start3A_134 = tpu.memref_slice %arg10[%dma_start3A_129, %dma_start3A_132, %dma_start3A_133] : memref<3x400x48xf32, #tpu.memory_space<vmem>> -> memref<1x104x48xf32, #tpu.memory_space<vmem>>
    %dma_start3A_135 = tpu.memref_squeeze %dma_start3A_134 : memref<1x104x48xf32, #tpu.memory_space<vmem>> -> memref<104x48xf32, #tpu.memory_space<vmem>>
    %dma_start3A_136 = arith.constant 800 : i32
    %dma_start3A_137 = tpu.memref_slice %arg7[%dma_start3A_136] : memref<25600xi32, #tpu.memory_space<vmem>> -> memref<104xi32, #tpu.memory_space<vmem>>
    %dma_start3A_138 = arith.constant 0 : i32
    %dma_start3A_139 = arith.constant 0 : i32
    %dma_start3A_140 = tpu.memref_slice %arg4[%dma_start3A_138, %dma_start3A_139] : memref<1000001x48xf32, #tpu.memory_space<hbm>> -> memref<1000001x48xf32, #tpu.memory_space<hbm>>
    %dma_start3A_141 = tpu.memref_slice %arg12[%dma_start3A_130, %dma_start3A_131] : memref<3x4x!tpu.dma_semaphore, #tpu.memory_space<semaphore_mem>> -> memref<1x1x!tpu.dma_semaphore, #tpu.memory_space<semaphore_mem>>
    %dma_start3A_142 = tpu.memref_squeeze %dma_start3A_141 : memref<1x1x!tpu.dma_semaphore, #tpu.memory_space<semaphore_mem>> -> memref<!tpu.dma_semaphore, #tpu.memory_space<semaphore_mem>>
    tpu.enqueue_indirect_dma source(%dma_start3A_140 : memref<1000001x48xf32, #tpu.memory_space<hbm>>) target(%dma_start3A_135 : memref<104x48xf32, #tpu.memory_space<vmem>>) offsets(%dma_start3A_137 : memref<104xi32, #tpu.memory_space<vmem>>) semaphore(%dma_start3A_142 : memref<!tpu.dma_semaphore, #tpu.memory_space<semaphore_mem>>)
    %dma_start3A_143 = arith.constant 2 : i32
    %dma_start3A_144 = arith.constant 2 : i32
    %dma_start3A_145 = arith.constant 1 : i32
    %dma_start3A_146 = arith.constant 104 : i32
    %dma_start3A_147 = arith.constant 0 : i32
    %dma_start3A_148 = tpu.memref_slice %arg10[%dma_start3A_143, %dma_start3A_146, %dma_start3A_147] : memref<3x400x48xf32, #tpu.memory_space<vmem>> -> memref<1x104x48xf32, #tpu.memory_space<vmem>>
    %dma_start3A_149 = tpu.memref_squeeze %dma_start3A_148 : memref<1x104x48xf32, #tpu.memory_space<vmem>> -> memref<104x48xf32, #tpu.memory_space<vmem>>
    %dma_start3A_150 = arith.constant 904 : i32
    %dma_start3A_151 = tpu.memref_slice %arg7[%dma_start3A_150] : memref<25600xi32, #tpu.memory_space<vmem>> -> memref<104xi32, #tpu.memory_space<vmem>>
    %dma_start3A_152 = arith.constant 0 : i32
    %dma_start3A_153 = arith.constant 0 : i32
    %dma_start3A_154 = tpu.memref_slice %arg4[%dma_start3A_152, %dma_start3A_153] : memref<1000001x48xf32, #tpu.memory_space<hbm>> -> memref<1000001x48xf32, #tpu.memory_space<hbm>>
    %dma_start3A_155 = tpu.memref_slice %arg12[%dma_start3A_144, %dma_start3A_145] : memref<3x4x!tpu.dma_semaphore, #tpu.memory_space<semaphore_mem>> -> memref<1x1x!tpu.dma_semaphore, #tpu.memory_space<semaphore_mem>>
    %dma_start3A_156 = tpu.memref_squeeze %dma_start3A_155 : memref<1x1x!tpu.dma_semaphore, #tpu.memory_space<semaphore_mem>> -> memref<!tpu.dma_semaphore, #tpu.memory_space<semaphore_mem>>
    tpu.enqueue_indirect_dma source(%dma_start3A_154 : memref<1000001x48xf32, #tpu.memory_space<hbm>>) target(%dma_start3A_149 : memref<104x48xf32, #tpu.memory_space<vmem>>) offsets(%dma_start3A_151 : memref<104xi32, #tpu.memory_space<vmem>>) semaphore(%dma_start3A_156 : memref<!tpu.dma_semaphore, #tpu.memory_space<semaphore_mem>>)
    %dma_start3A_157 = arith.constant 2 : i32
    %dma_start3A_158 = arith.constant 2 : i32
    %dma_start3A_159 = arith.constant 2 : i32
    %dma_start3A_160 = arith.constant 208 : i32
    %dma_start3A_161 = arith.constant 0 : i32
    %dma_start3A_162 = tpu.memref_slice %arg10[%dma_start3A_157, %dma_start3A_160, %dma_start3A_161] : memref<3x400x48xf32, #tpu.memory_space<vmem>> -> memref<1x96x48xf32, #tpu.memory_space<vmem>>
    %dma_start3A_163 = tpu.memref_squeeze %dma_start3A_162 : memref<1x96x48xf32, #tpu.memory_space<vmem>> -> memref<96x48xf32, #tpu.memory_space<vmem>>
    %dma_start3A_164 = arith.constant 1008 : i32
    %dma_start3A_165 = tpu.memref_slice %arg7[%dma_start3A_164] : memref<25600xi32, #tpu.memory_space<vmem>> -> memref<96xi32, #tpu.memory_space<vmem>>
    %dma_start3A_166 = arith.constant 0 : i32
    %dma_start3A_167 = arith.constant 0 : i32
    %dma_start3A_168 = tpu.memref_slice %arg4[%dma_start3A_166, %dma_start3A_167] : memref<1000001x48xf32, #tpu.memory_space<hbm>> -> memref<1000001x48xf32, #tpu.memory_space<hbm>>
    %dma_start3A_169 = tpu.memref_slice %arg12[%dma_start3A_158, %dma_start3A_159] : memref<3x4x!tpu.dma_semaphore, #tpu.memory_space<semaphore_mem>> -> memref<1x1x!tpu.dma_semaphore, #tpu.memory_space<semaphore_mem>>
    %dma_start3A_170 = tpu.memref_squeeze %dma_start3A_169 : memref<1x1x!tpu.dma_semaphore, #tpu.memory_space<semaphore_mem>> -> memref<!tpu.dma_semaphore, #tpu.memory_space<semaphore_mem>>
    tpu.enqueue_indirect_dma source(%dma_start3A_168 : memref<1000001x48xf32, #tpu.memory_space<hbm>>) target(%dma_start3A_163 : memref<96x48xf32, #tpu.memory_space<vmem>>) offsets(%dma_start3A_165 : memref<96xi32, #tpu.memory_space<vmem>>) semaphore(%dma_start3A_170 : memref<!tpu.dma_semaphore, #tpu.memory_space<semaphore_mem>>)
    %dma_start3A_171 = arith.constant 2 : i32
    %dma_start3A_172 = arith.constant 2 : i32
    %dma_start3A_173 = arith.constant 3 : i32
    %dma_start3A_174 = arith.constant 304 : i32
    %dma_start3A_175 = arith.constant 0 : i32
    %dma_start3A_176 = tpu.memref_slice %arg10[%dma_start3A_171, %dma_start3A_174, %dma_start3A_175] : memref<3x400x48xf32, #tpu.memory_space<vmem>> -> memref<1x96x48xf32, #tpu.memory_space<vmem>>
    %dma_start3A_177 = tpu.memref_squeeze %dma_start3A_176 : memref<1x96x48xf32, #tpu.memory_space<vmem>> -> memref<96x48xf32, #tpu.memory_space<vmem>>
    %dma_start3A_178 = arith.constant 1104 : i32
    %dma_start3A_179 = tpu.memref_slice %arg7[%dma_start3A_178] : memref<25600xi32, #tpu.memory_space<vmem>> -> memref<96xi32, #tpu.memory_space<vmem>>
    %dma_start3A_180 = arith.constant 0 : i32
    %dma_start3A_181 = arith.constant 0 : i32
    %dma_start3A_182 = tpu.memref_slice %arg4[%dma_start3A_180, %dma_start3A_181] : memref<1000001x48xf32, #tpu.memory_space<hbm>> -> memref<1000001x48xf32, #tpu.memory_space<hbm>>
    %dma_start3A_183 = tpu.memref_slice %arg12[%dma_start3A_172, %dma_start3A_173] : memref<3x4x!tpu.dma_semaphore, #tpu.memory_space<semaphore_mem>> -> memref<1x1x!tpu.dma_semaphore, #tpu.memory_space<semaphore_mem>>
    %dma_start3A_184 = tpu.memref_squeeze %dma_start3A_183 : memref<1x1x!tpu.dma_semaphore, #tpu.memory_space<semaphore_mem>> -> memref<!tpu.dma_semaphore, #tpu.memory_space<semaphore_mem>>
    tpu.enqueue_indirect_dma source(%dma_start3A_182 : memref<1000001x48xf32, #tpu.memory_space<hbm>>) target(%dma_start3A_177 : memref<96x48xf32, #tpu.memory_space<vmem>>) offsets(%dma_start3A_179 : memref<96xi32, #tpu.memory_space<vmem>>) semaphore(%dma_start3A_184 : memref<!tpu.dma_semaphore, #tpu.memory_space<semaphore_mem>>)
    %scan3A = arith.constant 0 : i32
    %scan3A_185 = arith.constant 0 : i32
    %scan3A_186 = arith.constant 21 : i32
    %scan3A_187 = arith.addi %scan3A_185, %scan3A_186 : i32
    %scan3A_188 = arith.constant 1 : i32
    scf.for %scan3A_339 = %scan3A_185 to %scan3A_187 step %scan3A_188  : i32 {
      %mul3A_340 = arith.constant 3 : i32
      %mul3A_341 = arith.muli %scan3A_339, %mul3A_340 : i32
      %add3A_342 = arith.constant 0 : i32
      %add3A_343 = arith.addi %mul3A_341, %add3A_342 : i32
      %mul3A_344 = arith.constant 400 : i32
      %mul3A_345 = arith.muli %add3A_343, %mul3A_344 : i32
      %add3A_346 = arith.constant 0 : i32
      %add3A_347 = arith.addi %mul3A_345, %add3A_346 : i32
      %dma_wait3A_348 = arith.constant 0 : i32
      %dma_wait3A_349 = arith.constant 0 : i32
      %dma_wait3A_350 = arith.constant 0 : i32
      %dma_wait3A_351 = arith.constant 0 : i32
      %dma_wait3A_352 = arith.constant 0 : i32
      %dma_wait3A_353 = tpu.memref_slice %arg10[%dma_wait3A_348, %dma_wait3A_351, %dma_wait3A_352] : memref<3x400x48xf32, #tpu.memory_space<vmem>> -> memref<1x104x48xf32, #tpu.memory_space<vmem>>
      %dma_wait3A_354 = tpu.memref_squeeze %dma_wait3A_353 : memref<1x104x48xf32, #tpu.memory_space<vmem>> -> memref<104x48xf32, #tpu.memory_space<vmem>>
      %dma_wait3A_355 = tpu.memref_slice %arg7[%add3A_347] : memref<25600xi32, #tpu.memory_space<vmem>> -> memref<104xi32, #tpu.memory_space<vmem>>
      %dma_wait3A_356 = arith.constant 0 : i32
      %dma_wait3A_357 = arith.constant 0 : i32
      %dma_wait3A_358 = tpu.memref_slice %arg4[%dma_wait3A_356, %dma_wait3A_357] : memref<1000001x48xf32, #tpu.memory_space<hbm>> -> memref<1000001x48xf32, #tpu.memory_space<hbm>>
      %dma_wait3A_359 = tpu.memref_slice %arg12[%dma_wait3A_349, %dma_wait3A_350] : memref<3x4x!tpu.dma_semaphore, #tpu.memory_space<semaphore_mem>> -> memref<1x1x!tpu.dma_semaphore, #tpu.memory_space<semaphore_mem>>
      %dma_wait3A_360 = tpu.memref_squeeze %dma_wait3A_359 : memref<1x1x!tpu.dma_semaphore, #tpu.memory_space<semaphore_mem>> -> memref<!tpu.dma_semaphore, #tpu.memory_space<semaphore_mem>>
      tpu.wait_indirect_dma semaphore(%dma_wait3A_360 : memref<!tpu.dma_semaphore, #tpu.memory_space<semaphore_mem>>) src(%dma_wait3A_358 : memref<1000001x48xf32, #tpu.memory_space<hbm>>) dst(%dma_wait3A_354 : memref<104x48xf32, #tpu.memory_space<vmem>>)
      %add3A_361 = arith.constant 104 : i32
      %add3A_362 = arith.addi %mul3A_345, %add3A_361 : i32
      %dma_wait3A_363 = arith.constant 0 : i32
      %dma_wait3A_364 = arith.constant 0 : i32
      %dma_wait3A_365 = arith.constant 1 : i32
      %dma_wait3A_366 = arith.constant 104 : i32
      %dma_wait3A_367 = arith.constant 0 : i32
      %dma_wait3A_368 = tpu.memref_slice %arg10[%dma_wait3A_363, %dma_wait3A_366, %dma_wait3A_367] : memref<3x400x48xf32, #tpu.memory_space<vmem>> -> memref<1x104x48xf32, #tpu.memory_space<vmem>>
      %dma_wait3A_369 = tpu.memref_squeeze %dma_wait3A_368 : memref<1x104x48xf32, #tpu.memory_space<vmem>> -> memref<104x48xf32, #tpu.memory_space<vmem>>
      %dma_wait3A_370 = tpu.memref_slice %arg7[%add3A_362] : memref<25600xi32, #tpu.memory_space<vmem>> -> memref<104xi32, #tpu.memory_space<vmem>>
      %dma_wait3A_371 = arith.constant 0 : i32
      %dma_wait3A_372 = arith.constant 0 : i32
      %dma_wait3A_373 = tpu.memref_slice %arg4[%dma_wait3A_371, %dma_wait3A_372] : memref<1000001x48xf32, #tpu.memory_space<hbm>> -> memref<1000001x48xf32, #tpu.memory_space<hbm>>
      %dma_wait3A_374 = tpu.memref_slice %arg12[%dma_wait3A_364, %dma_wait3A_365] : memref<3x4x!tpu.dma_semaphore, #tpu.memory_space<semaphore_mem>> -> memref<1x1x!tpu.dma_semaphore, #tpu.memory_space<semaphore_mem>>
      %dma_wait3A_375 = tpu.memref_squeeze %dma_wait3A_374 : memref<1x1x!tpu.dma_semaphore, #tpu.memory_space<semaphore_mem>> -> memref<!tpu.dma_semaphore, #tpu.memory_space<semaphore_mem>>
      tpu.wait_indirect_dma semaphore(%dma_wait3A_375 : memref<!tpu.dma_semaphore, #tpu.memory_space<semaphore_mem>>) src(%dma_wait3A_373 : memref<1000001x48xf32, #tpu.memory_space<hbm>>) dst(%dma_wait3A_369 : memref<104x48xf32, #tpu.memory_space<vmem>>)
      %add3A_376 = arith.constant 208 : i32
      %add3A_377 = arith.addi %mul3A_345, %add3A_376 : i32
      %dma_wait3A_378 = arith.constant 0 : i32
      %dma_wait3A_379 = arith.constant 0 : i32
      %dma_wait3A_380 = arith.constant 2 : i32
      %dma_wait3A_381 = arith.constant 208 : i32
      %dma_wait3A_382 = arith.constant 0 : i32
      %dma_wait3A_383 = tpu.memref_slice %arg10[%dma_wait3A_378, %dma_wait3A_381, %dma_wait3A_382] : memref<3x400x48xf32, #tpu.memory_space<vmem>> -> memref<1x96x48xf32, #tpu.memory_space<vmem>>
      %dma_wait3A_384 = tpu.memref_squeeze %dma_wait3A_383 : memref<1x96x48xf32, #tpu.memory_space<vmem>> -> memref<96x48xf32, #tpu.memory_space<vmem>>
      %dma_wait3A_385 = tpu.memref_slice %arg7[%add3A_377] : memref<25600xi32, #tpu.memory_space<vmem>> -> memref<96xi32, #tpu.memory_space<vmem>>
      %dma_wait3A_386 = arith.constant 0 : i32
      %dma_wait3A_387 = arith.constant 0 : i32
      %dma_wait3A_388 = tpu.memref_slice %arg4[%dma_wait3A_386, %dma_wait3A_387] : memref<1000001x48xf32, #tpu.memory_space<hbm>> -> memref<1000001x48xf32, #tpu.memory_space<hbm>>
      %dma_wait3A_389 = tpu.memref_slice %arg12[%dma_wait3A_379, %dma_wait3A_380] : memref<3x4x!tpu.dma_semaphore, #tpu.memory_space<semaphore_mem>> -> memref<1x1x!tpu.dma_semaphore, #tpu.memory_space<semaphore_mem>>
      %dma_wait3A_390 = tpu.memref_squeeze %dma_wait3A_389 : memref<1x1x!tpu.dma_semaphore, #tpu.memory_space<semaphore_mem>> -> memref<!tpu.dma_semaphore, #tpu.memory_space<semaphore_mem>>
      tpu.wait_indirect_dma semaphore(%dma_wait3A_390 : memref<!tpu.dma_semaphore, #tpu.memory_space<semaphore_mem>>) src(%dma_wait3A_388 : memref<1000001x48xf32, #tpu.memory_space<hbm>>) dst(%dma_wait3A_384 : memref<96x48xf32, #tpu.memory_space<vmem>>)
      %add3A_391 = arith.constant 304 : i32
      %add3A_392 = arith.addi %mul3A_345, %add3A_391 : i32
      %dma_wait3A_393 = arith.constant 0 : i32
      %dma_wait3A_394 = arith.constant 0 : i32
      %dma_wait3A_395 = arith.constant 3 : i32
      %dma_wait3A_396 = arith.constant 304 : i32
      %dma_wait3A_397 = arith.constant 0 : i32
      %dma_wait3A_398 = tpu.memref_slice %arg10[%dma_wait3A_393, %dma_wait3A_396, %dma_wait3A_397] : memref<3x400x48xf32, #tpu.memory_space<vmem>> -> memref<1x96x48xf32, #tpu.memory_space<vmem>>
      %dma_wait3A_399 = tpu.memref_squeeze %dma_wait3A_398 : memref<1x96x48xf32, #tpu.memory_space<vmem>> -> memref<96x48xf32, #tpu.memory_space<vmem>>
      %dma_wait3A_400 = tpu.memref_slice %arg7[%add3A_392] : memref<25600xi32, #tpu.memory_space<vmem>> -> memref<96xi32, #tpu.memory_space<vmem>>
      %dma_wait3A_401 = arith.constant 0 : i32
      %dma_wait3A_402 = arith.constant 0 : i32
      %dma_wait3A_403 = tpu.memref_slice %arg4[%dma_wait3A_401, %dma_wait3A_402] : memref<1000001x48xf32, #tpu.memory_space<hbm>> -> memref<1000001x48xf32, #tpu.memory_space<hbm>>
      %dma_wait3A_404 = tpu.memref_slice %arg12[%dma_wait3A_394, %dma_wait3A_395] : memref<3x4x!tpu.dma_semaphore, #tpu.memory_space<semaphore_mem>> -> memref<1x1x!tpu.dma_semaphore, #tpu.memory_space<semaphore_mem>>
      %dma_wait3A_405 = tpu.memref_squeeze %dma_wait3A_404 : memref<1x1x!tpu.dma_semaphore, #tpu.memory_space<semaphore_mem>> -> memref<!tpu.dma_semaphore, #tpu.memory_space<semaphore_mem>>
      tpu.wait_indirect_dma semaphore(%dma_wait3A_405 : memref<!tpu.dma_semaphore, #tpu.memory_space<semaphore_mem>>) src(%dma_wait3A_403 : memref<1000001x48xf32, #tpu.memory_space<hbm>>) dst(%dma_wait3A_399 : memref<96x48xf32, #tpu.memory_space<vmem>>)
      %mul3A_406 = arith.constant 2 : i32
      %mul3A_407 = arith.muli %add3A_343, %mul3A_406 : i32
      %add3A_408 = arith.constant 0 : i32
      %add3A_409 = arith.addi %mul3A_407, %add3A_408 : i32
      %get3A_410 = arith.index_cast %add3A_409 : i32 to index
      %get3A_411 = arith.constant 0 : index
      %get3A_412 = tpu.vector_load %arg9[%get3A_410, %get3A_411] {strides = array<i32>} : memref<128x16xf32, #tpu.memory_space<vmem>>, vector<1x16xf32>,
      %get3A_413 = vector.shape_cast %get3A_412 : vector<1x16xf32> to vector<16xf32>
      %scan3A_414 = arith.constant 0 : i32
      %scan3A_415 = arith.constant 0 : i32
      %scan3A_416 = arith.constant 200 : i32
      %scan3A_417 = arith.addi %scan3A_415, %scan3A_416 : i32
      %scan3A_418 = arith.constant 1 : i32
      scf.for %scan3A_862 = %scan3A_415 to %scan3A_417 step %scan3A_418  : i32 {
        %add3A_863 = arith.constant 0 : i32
        %add3A_864 = arith.addi %add3A_863, %scan3A_862 : i32
        %swap3A = arith.constant 0 : i32
        %swap3A_865 = arith.index_cast %swap3A : i32 to index
        %swap3A_866 = arith.index_cast %add3A_864 : i32 to index
        %swap3A_867 = arith.constant 0 : index
        %swap3A_868 = tpu.vector_load %arg11[%swap3A_865, %swap3A_866, %swap3A_867] {strides = array<i32>} : memref<3x400x16xf32, #tpu.memory_space<vmem>>, vector<1x1x16xf32>,
        %swap3A_869 = vector.shape_cast %swap3A_868 : vector<1x1x16xf32> to vector<16xf32>
        %swap3A_870 = vector.shape_cast %get3A_413 : vector<16xf32> to vector<1x1x16xf32>
        tpu.vector_store %arg11[%swap3A_865, %swap3A_866, %swap3A_867], %swap3A_870 {strides = array<i32>} : memref<3x400x16xf32, #tpu.memory_space<vmem>>, vector<1x1x16xf32>,
      }
      %scan3A_419 = arith.constant 200 : i32
      %mul3A_420 = arith.constant 2 : i32
      %mul3A_421 = arith.muli %add3A_343, %mul3A_420 : i32
      %add3A_422 = arith.constant 1 : i32
      %add3A_423 = arith.addi %mul3A_421, %add3A_422 : i32
      %get3A_424 = arith.index_cast %add3A_423 : i32 to index
      %get3A_425 = arith.constant 0 : index
      %get3A_426 = tpu.vector_load %arg9[%get3A_424, %get3A_425] {strides = array<i32>} : memref<128x16xf32, #tpu.memory_space<vmem>>, vector<1x16xf32>,
      %get3A_427 = vector.shape_cast %get3A_426 : vector<1x16xf32> to vector<16xf32>
      %scan3A_428 = arith.constant 0 : i32
      %scan3A_429 = arith.constant 0 : i32
      %scan3A_430 = arith.constant 200 : i32
      %scan3A_431 = arith.addi %scan3A_429, %scan3A_430 : i32
      %scan3A_432 = arith.constant 1 : i32
      scf.for %scan3A_862 = %scan3A_429 to %scan3A_431 step %scan3A_432  : i32 {
        %add3A_863 = arith.constant 200 : i32
        %add3A_864 = arith.addi %add3A_863, %scan3A_862 : i32
        %swap3A = arith.constant 0 : i32
        %swap3A_865 = arith.index_cast %swap3A : i32 to index
        %swap3A_866 = arith.index_cast %add3A_864 : i32 to index
        %swap3A_867 = arith.constant 0 : index
        %swap3A_868 = tpu.vector_load %arg11[%swap3A_865, %swap3A_866, %swap3A_867] {strides = array<i32>} : memref<3x400x16xf32, #tpu.memory_space<vmem>>, vector<1x1x16xf32>,
        %swap3A_869 = vector.shape_cast %swap3A_868 : vector<1x1x16xf32> to vector<16xf32>
        %swap3A_870 = vector.shape_cast %get3A_427 : vector<16xf32> to vector<1x1x16xf32>
        tpu.vector_store %arg11[%swap3A_865, %swap3A_866, %swap3A_867], %swap3A_870 {strides = array<i32>} : memref<3x400x16xf32, #tpu.memory_space<vmem>>, vector<1x1x16xf32>,
      }
      %scan3A_433 = arith.constant 200 : i32
      %mul3A_434 = arith.constant 400 : i32
      %mul3A_435 = arith.muli %add3A_343, %mul3A_434 : i32
      %add3A_436 = arith.addi %mul3A_2, %mul3A_435 : i32
      %dma_start3A_437 = arith.constant 0 : i32
      %dma_start3A_438 = arith.constant 0 : i32
      %dma_start3A_439 = arith.constant 0 : i32
      %dma_start3A_440 = arith.constant 0 : i32
      %dma_start3A_441 = arith.constant 0 : i32
      %dma_start3A_442 = tpu.memref_slice %arg10[%dma_start3A_437, %dma_start3A_440, %dma_start3A_441] : memref<3x400x48xf32, #tpu.memory_space<vmem>> -> memref<1x400x48xf32, #tpu.memory_space<vmem>>
      %dma_start3A_443 = tpu.memref_squeeze %dma_start3A_442 : memref<1x400x48xf32, #tpu.memory_space<vmem>> -> memref<400x48xf32, #tpu.memory_space<vmem>>
      %dma_start3A_444 = arith.constant 0 : i32
      %dma_start3A_445 = tpu.memref_slice %arg6[%add3A_436, %dma_start3A_444] : memref<819200x64xf32, #tpu.memory_space<hbm>> -> memref<400x48xf32, #tpu.memory_space<hbm>>
      %dma_start3A_446 = tpu.memref_slice %arg13[%dma_start3A_438, %dma_start3A_439] : memref<3x2x!tpu.dma_semaphore, #tpu.memory_space<semaphore_mem>> -> memref<1x1x!tpu.dma_semaphore, #tpu.memory_space<semaphore_mem>>
      %dma_start3A_447 = tpu.memref_squeeze %dma_start3A_446 : memref<1x1x!tpu.dma_semaphore, #tpu.memory_space<semaphore_mem>> -> memref<!tpu.dma_semaphore, #tpu.memory_space<semaphore_mem>>
      %dma_start3A_448 = arith.constant 0 : i32
      %dma_start3A_449 = tpu.memref_slice %arg6[%add3A_436, %dma_start3A_448] : memref<819200x64xf32, #tpu.memory_space<hbm>> -> memref<400x48xf32, #tpu.memory_space<hbm>>
      %dma_start3A_450 = arith.constant 0 : i32
      %dma_start3A_451 = arith.constant 0 : i32
      %dma_start3A_452 = tpu.memref_slice %arg10[%dma_start3A_437, %dma_start3A_450, %dma_start3A_451] : memref<3x400x48xf32, #tpu.memory_space<vmem>> -> memref<1x400x48xf32, #tpu.memory_space<vmem>>
      %dma_start3A_453 = tpu.memref_squeeze %dma_start3A_452 : memref<1x400x48xf32, #tpu.memory_space<vmem>> -> memref<400x48xf32, #tpu.memory_space<vmem>>
      tpu.enqueue_dma source(%dma_start3A_453 : memref<400x48xf32, #tpu.memory_space<vmem>>) target(%dma_start3A_449 : memref<400x48xf32, #tpu.memory_space<hbm>>) target_semaphore(%dma_start3A_447 : memref<!tpu.dma_semaphore, #tpu.memory_space<semaphore_mem>>)
      %dma_start3A_454 = arith.constant 0 : i32
      %dma_start3A_455 = arith.constant 0 : i32
      %dma_start3A_456 = arith.constant 1 : i32
      %dma_start3A_457 = arith.constant 0 : i32
      %dma_start3A_458 = arith.constant 0 : i32
      %dma_start3A_459 = tpu.memref_slice %arg11[%dma_start3A_454, %dma_start3A_457, %dma_start3A_458] : memref<3x400x16xf32, #tpu.memory_space<vmem>> -> memref<1x400x16xf32, #tpu.memory_space<vmem>>
      %dma_start3A_460 = tpu.memref_squeeze %dma_start3A_459 : memref<1x400x16xf32, #tpu.memory_space<vmem>> -> memref<400x16xf32, #tpu.memory_space<vmem>>
      %dma_start3A_461 = arith.constant 48 : i32
      %dma_start3A_462 = tpu.memref_slice %arg6[%add3A_436, %dma_start3A_461] : memref<819200x64xf32, #tpu.memory_space<hbm>> -> memref<400x16xf32, #tpu.memory_space<hbm>>
      %dma_start3A_463 = tpu.memref_slice %arg13[%dma_start3A_455, %dma_start3A_456] : memref<3x2x!tpu.dma_semaphore, #tpu.memory_space<semaphore_mem>> -> memref<1x1x!tpu.dma_semaphore, #tpu.memory_space<semaphore_mem>>
      %dma_start3A_464 = tpu.memref_squeeze %dma_start3A_463 : memref<1x1x!tpu.dma_semaphore, #tpu.memory_space<semaphore_mem>> -> memref<!tpu.dma_semaphore, #tpu.memory_space<semaphore_mem>>
      %dma_start3A_465 = arith.constant 48 : i32
      %dma_start3A_466 = tpu.memref_slice %arg6[%add3A_436, %dma_start3A_465] : memref<819200x64xf32, #tpu.memory_space<hbm>> -> memref<400x16xf32, #tpu.memory_space<hbm>>
      %dma_start3A_467 = arith.constant 0 : i32
      %dma_start3A_468 = arith.constant 0 : i32
      %dma_start3A_469 = tpu.memref_slice %arg11[%dma_start3A_454, %dma_start3A_467, %dma_start3A_468] : memref<3x400x16xf32, #tpu.memory_space<vmem>> -> memref<1x400x16xf32, #tpu.memory_space<vmem>>
      %dma_start3A_470 = tpu.memref_squeeze %dma_start3A_469 : memref<1x400x16xf32, #tpu.memory_space<vmem>> -> memref<400x16xf32, #tpu.memory_space<vmem>>
      tpu.enqueue_dma source(%dma_start3A_470 : memref<400x16xf32, #tpu.memory_space<vmem>>) target(%dma_start3A_466 : memref<400x16xf32, #tpu.memory_space<hbm>>) target_semaphore(%dma_start3A_464 : memref<!tpu.dma_semaphore, #tpu.memory_space<semaphore_mem>>)
      %mul3A_471 = arith.constant 400 : i32
      %mul3A_472 = arith.muli %add3A_343, %mul3A_471 : i32
      %add3A_473 = arith.addi %mul3A_2, %mul3A_472 : i32
      %dma_wait3A_474 = arith.constant 0 : i32
      %dma_wait3A_475 = arith.constant 0 : i32
      %dma_wait3A_476 = arith.constant 0 : i32
      %dma_wait3A_477 = arith.constant 0 : i32
      %dma_wait3A_478 = arith.constant 0 : i32
      %dma_wait3A_479 = tpu.memref_slice %arg10[%dma_wait3A_474, %dma_wait3A_477, %dma_wait3A_478] : memref<3x400x48xf32, #tpu.memory_space<vmem>> -> memref<1x400x48xf32, #tpu.memory_space<vmem>>
      %dma_wait3A_480 = tpu.memref_squeeze %dma_wait3A_479 : memref<1x400x48xf32, #tpu.memory_space<vmem>> -> memref<400x48xf32, #tpu.memory_space<vmem>>
      %dma_wait3A_481 = arith.constant 0 : i32
      %dma_wait3A_482 = tpu.memref_slice %arg6[%add3A_473, %dma_wait3A_481] : memref<819200x64xf32, #tpu.memory_space<hbm>> -> memref<400x48xf32, #tpu.memory_space<hbm>>
      %dma_wait3A_483 = tpu.memref_slice %arg13[%dma_wait3A_475, %dma_wait3A_476] : memref<3x2x!tpu.dma_semaphore, #tpu.memory_space<semaphore_mem>> -> memref<1x1x!tpu.dma_semaphore, #tpu.memory_space<semaphore_mem>>
      %dma_wait3A_484 = tpu.memref_squeeze %dma_wait3A_483 : memref<1x1x!tpu.dma_semaphore, #tpu.memory_space<semaphore_mem>> -> memref<!tpu.dma_semaphore, #tpu.memory_space<semaphore_mem>>
      %dma_wait3A_485 = arith.constant 0 : i32
      %dma_wait3A_486 = tpu.memref_slice %arg6[%add3A_473, %dma_wait3A_485] : memref<819200x64xf32, #tpu.memory_space<hbm>> -> memref<400x48xf32, #tpu.memory_space<hbm>>
      %dma_wait3A_487 = arith.constant 0 : i32
      %dma_wait3A_488 = arith.constant 0 : i32
      %dma_wait3A_489 = tpu.memref_slice %arg10[%dma_wait3A_474, %dma_wait3A_487, %dma_wait3A_488] : memref<3x400x48xf32, #tpu.memory_space<vmem>> -> memref<1x400x48xf32, #tpu.memory_space<vmem>>
      %dma_wait3A_490 = tpu.memref_squeeze %dma_wait3A_489 : memref<1x400x48xf32, #tpu.memory_space<vmem>> -> memref<400x48xf32, #tpu.memory_space<vmem>>
      tpu.wait_dma2 semaphore(%dma_wait3A_484 : memref<!tpu.dma_semaphore, #tpu.memory_space<semaphore_mem>>) src(%dma_wait3A_490 : memref<400x48xf32, #tpu.memory_space<vmem>>) dst(%dma_wait3A_486 : memref<400x48xf32, #tpu.memory_space<hbm>>)
      %dma_wait3A_491 = arith.constant 0 : i32
      %dma_wait3A_492 = arith.constant 0 : i32
      %dma_wait3A_493 = arith.constant 1 : i32
      %dma_wait3A_494 = arith.constant 0 : i32
      %dma_wait3A_495 = arith.constant 0 : i32
      %dma_wait3A_496 = tpu.memref_slice %arg11[%dma_wait3A_491, %dma_wait3A_494, %dma_wait3A_495] : memref<3x400x16xf32, #tpu.memory_space<vmem>> -> memref<1x400x16xf32, #tpu.memory_space<vmem>>
      %dma_wait3A_497 = tpu.memref_squeeze %dma_wait3A_496 : memref<1x400x16xf32, #tpu.memory_space<vmem>> -> memref<400x16xf32, #tpu.memory_space<vmem>>
      %dma_wait3A_498 = arith.constant 48 : i32
      %dma_wait3A_499 = tpu.memref_slice %arg6[%add3A_473, %dma_wait3A_498] : memref<819200x64xf32, #tpu.memory_space<hbm>> -> memref<400x16xf32, #tpu.memory_space<hbm>>
      %dma_wait3A_500 = tpu.memref_slice %arg13[%dma_wait3A_492, %dma_wait3A_493] : memref<3x2x!tpu.dma_semaphore, #tpu.memory_space<semaphore_mem>> -> memref<1x1x!tpu.dma_semaphore, #tpu.memory_space<semaphore_mem>>
      %dma_wait3A_501 = tpu.memref_squeeze %dma_wait3A_500 : memref<1x1x!tpu.dma_semaphore, #tpu.memory_space<semaphore_mem>> -> memref<!tpu.dma_semaphore, #tpu.memory_space<semaphore_mem>>
      %dma_wait3A_502 = arith.constant 48 : i32
      %dma_wait3A_503 = tpu.memref_slice %arg6[%add3A_473, %dma_wait3A_502] : memref<819200x64xf32, #tpu.memory_space<hbm>> -> memref<400x16xf32, #tpu.memory_space<hbm>>
      %dma_wait3A_504 = arith.constant 0 : i32
      %dma_wait3A_505 = arith.constant 0 : i32
      %dma_wait3A_506 = tpu.memref_slice %arg11[%dma_wait3A_491, %dma_wait3A_504, %dma_wait3A_505] : memref<3x400x16xf32, #tpu.memory_space<vmem>> -> memref<1x400x16xf32, #tpu.memory_space<vmem>>
      %dma_wait3A_507 = tpu.memref_squeeze %dma_wait3A_506 : memref<1x400x16xf32, #tpu.memory_space<vmem>> -> memref<400x16xf32, #tpu.memory_space<vmem>>
      tpu.wait_dma2 semaphore(%dma_wait3A_501 : memref<!tpu.dma_semaphore, #tpu.memory_space<semaphore_mem>>) src(%dma_wait3A_507 : memref<400x16xf32, #tpu.memory_space<vmem>>) dst(%dma_wait3A_503 : memref<400x16xf32, #tpu.memory_space<hbm>>)
      %add3A_508 = arith.constant 3 : i32
      %add3A_509 = arith.addi %add3A_343, %add3A_508 : i32
      %lt3A = arith.constant 64 : i32
      %lt3A_510 = arith.cmpi slt, %add3A_509, %lt3A : i32
      %convert_element_type3A = arith.extui %lt3A_510 : i1 to i32
      %cond3A = arith.constant 0 : i32
      %cond3A_511 = arith.cmpi ne, %convert_element_type3A, %cond3A : i32
      scf.if %cond3A_511 {
        %add3A_862 = arith.constant 3 : i32
        %add3A_863 = arith.addi %add3A_343, %add3A_862 : i32
        %mul3A_864 = arith.constant 400 : i32
        %mul3A_865 = arith.muli %add3A_863, %mul3A_864 : i32
        %add3A_866 = arith.constant 0 : i32
        %add3A_867 = arith.addi %mul3A_865, %add3A_866 : i32
        %dma_start3A_868 = arith.constant 0 : i32
        %dma_start3A_869 = arith.constant 0 : i32
        %dma_start3A_870 = arith.constant 0 : i32
        %dma_start3A_871 = arith.constant 0 : i32
        %dma_start3A_872 = arith.constant 0 : i32
        %dma_start3A_873 = tpu.memref_slice %arg10[%dma_start3A_868, %dma_start3A_871, %dma_start3A_872] : memref<3x400x48xf32, #tpu.memory_space<vmem>> -> memref<1x104x48xf32, #tpu.memory_space<vmem>>
        %dma_start3A_874 = tpu.memref_squeeze %dma_start3A_873 : memref<1x104x48xf32, #tpu.memory_space<vmem>> -> memref<104x48xf32, #tpu.memory_space<vmem>>
        %dma_start3A_875 = tpu.memref_slice %arg7[%add3A_867] : memref<25600xi32, #tpu.memory_space<vmem>> -> memref<104xi32, #tpu.memory_space<vmem>>
        %dma_start3A_876 = arith.constant 0 : i32
        %dma_start3A_877 = arith.constant 0 : i32
        %dma_start3A_878 = tpu.memref_slice %arg4[%dma_start3A_876, %dma_start3A_877] : memref<1000001x48xf32, #tpu.memory_space<hbm>> -> memref<1000001x48xf32, #tpu.memory_space<hbm>>
        %dma_start3A_879 = tpu.memref_slice %arg12[%dma_start3A_869, %dma_start3A_870] : memref<3x4x!tpu.dma_semaphore, #tpu.memory_space<semaphore_mem>> -> memref<1x1x!tpu.dma_semaphore, #tpu.memory_space<semaphore_mem>>
        %dma_start3A_880 = tpu.memref_squeeze %dma_start3A_879 : memref<1x1x!tpu.dma_semaphore, #tpu.memory_space<semaphore_mem>> -> memref<!tpu.dma_semaphore, #tpu.memory_space<semaphore_mem>>
        tpu.enqueue_indirect_dma source(%dma_start3A_878 : memref<1000001x48xf32, #tpu.memory_space<hbm>>) target(%dma_start3A_874 : memref<104x48xf32, #tpu.memory_space<vmem>>) offsets(%dma_start3A_875 : memref<104xi32, #tpu.memory_space<vmem>>) semaphore(%dma_start3A_880 : memref<!tpu.dma_semaphore, #tpu.memory_space<semaphore_mem>>)
        %add3A_881 = arith.constant 104 : i32
        %add3A_882 = arith.addi %mul3A_865, %add3A_881 : i32
        %dma_start3A_883 = arith.constant 0 : i32
        %dma_start3A_884 = arith.constant 0 : i32
        %dma_start3A_885 = arith.constant 1 : i32
        %dma_start3A_886 = arith.constant 104 : i32
        %dma_start3A_887 = arith.constant 0 : i32
        %dma_start3A_888 = tpu.memref_slice %arg10[%dma_start3A_883, %dma_start3A_886, %dma_start3A_887] : memref<3x400x48xf32, #tpu.memory_space<vmem>> -> memref<1x104x48xf32, #tpu.memory_space<vmem>>
        %dma_start3A_889 = tpu.memref_squeeze %dma_start3A_888 : memref<1x104x48xf32, #tpu.memory_space<vmem>> -> memref<104x48xf32, #tpu.memory_space<vmem>>
        %dma_start3A_890 = tpu.memref_slice %arg7[%add3A_882] : memref<25600xi32, #tpu.memory_space<vmem>> -> memref<104xi32, #tpu.memory_space<vmem>>
        %dma_start3A_891 = arith.constant 0 : i32
        %dma_start3A_892 = arith.constant 0 : i32
        %dma_start3A_893 = tpu.memref_slice %arg4[%dma_start3A_891, %dma_start3A_892] : memref<1000001x48xf32, #tpu.memory_space<hbm>> -> memref<1000001x48xf32, #tpu.memory_space<hbm>>
        %dma_start3A_894 = tpu.memref_slice %arg12[%dma_start3A_884, %dma_start3A_885] : memref<3x4x!tpu.dma_semaphore, #tpu.memory_space<semaphore_mem>> -> memref<1x1x!tpu.dma_semaphore, #tpu.memory_space<semaphore_mem>>
        %dma_start3A_895 = tpu.memref_squeeze %dma_start3A_894 : memref<1x1x!tpu.dma_semaphore, #tpu.memory_space<semaphore_mem>> -> memref<!tpu.dma_semaphore, #tpu.memory_space<semaphore_mem>>
        tpu.enqueue_indirect_dma source(%dma_start3A_893 : memref<1000001x48xf32, #tpu.memory_space<hbm>>) target(%dma_start3A_889 : memref<104x48xf32, #tpu.memory_space<vmem>>) offsets(%dma_start3A_890 : memref<104xi32, #tpu.memory_space<vmem>>) semaphore(%dma_start3A_895 : memref<!tpu.dma_semaphore, #tpu.memory_space<semaphore_mem>>)
        %add3A_896 = arith.constant 208 : i32
        %add3A_897 = arith.addi %mul3A_865, %add3A_896 : i32
        %dma_start3A_898 = arith.constant 0 : i32
        %dma_start3A_899 = arith.constant 0 : i32
        %dma_start3A_900 = arith.constant 2 : i32
        %dma_start3A_901 = arith.constant 208 : i32
        %dma_start3A_902 = arith.constant 0 : i32
        %dma_start3A_903 = tpu.memref_slice %arg10[%dma_start3A_898, %dma_start3A_901, %dma_start3A_902] : memref<3x400x48xf32, #tpu.memory_space<vmem>> -> memref<1x96x48xf32, #tpu.memory_space<vmem>>
        %dma_start3A_904 = tpu.memref_squeeze %dma_start3A_903 : memref<1x96x48xf32, #tpu.memory_space<vmem>> -> memref<96x48xf32, #tpu.memory_space<vmem>>
        %dma_start3A_905 = tpu.memref_slice %arg7[%add3A_897] : memref<25600xi32, #tpu.memory_space<vmem>> -> memref<96xi32, #tpu.memory_space<vmem>>
        %dma_start3A_906 = arith.constant 0 : i32
        %dma_start3A_907 = arith.constant 0 : i32
        %dma_start3A_908 = tpu.memref_slice %arg4[%dma_start3A_906, %dma_start3A_907] : memref<1000001x48xf32, #tpu.memory_space<hbm>> -> memref<1000001x48xf32, #tpu.memory_space<hbm>>
        %dma_start3A_909 = tpu.memref_slice %arg12[%dma_start3A_899, %dma_start3A_900] : memref<3x4x!tpu.dma_semaphore, #tpu.memory_space<semaphore_mem>> -> memref<1x1x!tpu.dma_semaphore, #tpu.memory_space<semaphore_mem>>
        %dma_start3A_910 = tpu.memref_squeeze %dma_start3A_909 : memref<1x1x!tpu.dma_semaphore, #tpu.memory_space<semaphore_mem>> -> memref<!tpu.dma_semaphore, #tpu.memory_space<semaphore_mem>>
        tpu.enqueue_indirect_dma source(%dma_start3A_908 : memref<1000001x48xf32, #tpu.memory_space<hbm>>) target(%dma_start3A_904 : memref<96x48xf32, #tpu.memory_space<vmem>>) offsets(%dma_start3A_905 : memref<96xi32, #tpu.memory_space<vmem>>) semaphore(%dma_start3A_910 : memref<!tpu.dma_semaphore, #tpu.memory_space<semaphore_mem>>)
        %add3A_911 = arith.constant 304 : i32
        %add3A_912 = arith.addi %mul3A_865, %add3A_911 : i32
        %dma_start3A_913 = arith.constant 0 : i32
        %dma_start3A_914 = arith.constant 0 : i32
        %dma_start3A_915 = arith.constant 3 : i32
        %dma_start3A_916 = arith.constant 304 : i32
        %dma_start3A_917 = arith.constant 0 : i32
        %dma_start3A_918 = tpu.memref_slice %arg10[%dma_start3A_913, %dma_start3A_916, %dma_start3A_917] : memref<3x400x48xf32, #tpu.memory_space<vmem>> -> memref<1x96x48xf32, #tpu.memory_space<vmem>>
        %dma_start3A_919 = tpu.memref_squeeze %dma_start3A_918 : memref<1x96x48xf32, #tpu.memory_space<vmem>> -> memref<96x48xf32, #tpu.memory_space<vmem>>
        %dma_start3A_920 = tpu.memref_slice %arg7[%add3A_912] : memref<25600xi32, #tpu.memory_space<vmem>> -> memref<96xi32, #tpu.memory_space<vmem>>
        %dma_start3A_921 = arith.constant 0 : i32
        %dma_start3A_922 = arith.constant 0 : i32
        %dma_start3A_923 = tpu.memref_slice %arg4[%dma_start3A_921, %dma_start3A_922] : memref<1000001x48xf32, #tpu.memory_space<hbm>> -> memref<1000001x48xf32, #tpu.memory_space<hbm>>
        %dma_start3A_924 = tpu.memref_slice %arg12[%dma_start3A_914, %dma_start3A_915] : memref<3x4x!tpu.dma_semaphore, #tpu.memory_space<semaphore_mem>> -> memref<1x1x!tpu.dma_semaphore, #tpu.memory_space<semaphore_mem>>
        %dma_start3A_925 = tpu.memref_squeeze %dma_start3A_924 : memref<1x1x!tpu.dma_semaphore, #tpu.memory_space<semaphore_mem>> -> memref<!tpu.dma_semaphore, #tpu.memory_space<semaphore_mem>>
        tpu.enqueue_indirect_dma source(%dma_start3A_923 : memref<1000001x48xf32, #tpu.memory_space<hbm>>) target(%dma_start3A_919 : memref<96x48xf32, #tpu.memory_space<vmem>>) offsets(%dma_start3A_920 : memref<96xi32, #tpu.memory_space<vmem>>) semaphore(%dma_start3A_925 : memref<!tpu.dma_semaphore, #tpu.memory_space<semaphore_mem>>)
      } else {
      }
      %mul3A_512 = arith.constant 3 : i32
      %mul3A_513 = arith.muli %scan3A_339, %mul3A_512 : i32
      %add3A_514 = arith.constant 1 : i32
      %add3A_515 = arith.addi %mul3A_513, %add3A_514 : i32
      %mul3A_516 = arith.constant 400 : i32
      %mul3A_517 = arith.muli %add3A_515, %mul3A_516 : i32
      %add3A_518 = arith.constant 0 : i32
      %add3A_519 = arith.addi %mul3A_517, %add3A_518 : i32
      %dma_wait3A_520 = arith.constant 1 : i32
      %dma_wait3A_521 = arith.constant 1 : i32
      %dma_wait3A_522 = arith.constant 0 : i32
      %dma_wait3A_523 = arith.constant 0 : i32
      %dma_wait3A_524 = arith.constant 0 : i32
      %dma_wait3A_525 = tpu.memref_slice %arg10[%dma_wait3A_520, %dma_wait3A_523, %dma_wait3A_524] : memref<3x400x48xf32, #tpu.memory_space<vmem>> -> memref<1x104x48xf32, #tpu.memory_space<vmem>>
      %dma_wait3A_526 = tpu.memref_squeeze %dma_wait3A_525 : memref<1x104x48xf32, #tpu.memory_space<vmem>> -> memref<104x48xf32, #tpu.memory_space<vmem>>
      %dma_wait3A_527 = tpu.memref_slice %arg7[%add3A_519] : memref<25600xi32, #tpu.memory_space<vmem>> -> memref<104xi32, #tpu.memory_space<vmem>>
      %dma_wait3A_528 = arith.constant 0 : i32
      %dma_wait3A_529 = arith.constant 0 : i32
      %dma_wait3A_530 = tpu.memref_slice %arg4[%dma_wait3A_528, %dma_wait3A_529] : memref<1000001x48xf32, #tpu.memory_space<hbm>> -> memref<1000001x48xf32, #tpu.memory_space<hbm>>
      %dma_wait3A_531 = tpu.memref_slice %arg12[%dma_wait3A_521, %dma_wait3A_522] : memref<3x4x!tpu.dma_semaphore, #tpu.memory_space<semaphore_mem>> -> memref<1x1x!tpu.dma_semaphore, #tpu.memory_space<semaphore_mem>>
      %dma_wait3A_532 = tpu.memref_squeeze %dma_wait3A_531 : memref<1x1x!tpu.dma_semaphore, #tpu.memory_space<semaphore_mem>> -> memref<!tpu.dma_semaphore, #tpu.memory_space<semaphore_mem>>
      tpu.wait_indirect_dma semaphore(%dma_wait3A_532 : memref<!tpu.dma_semaphore, #tpu.memory_space<semaphore_mem>>) src(%dma_wait3A_530 : memref<1000001x48xf32, #tpu.memory_space<hbm>>) dst(%dma_wait3A_526 : memref<104x48xf32, #tpu.memory_space<vmem>>)
      %add3A_533 = arith.constant 104 : i32
      %add3A_534 = arith.addi %mul3A_517, %add3A_533 : i32
      %dma_wait3A_535 = arith.constant 1 : i32
      %dma_wait3A_536 = arith.constant 1 : i32
      %dma_wait3A_537 = arith.constant 1 : i32
      %dma_wait3A_538 = arith.constant 104 : i32
      %dma_wait3A_539 = arith.constant 0 : i32
      %dma_wait3A_540 = tpu.memref_slice %arg10[%dma_wait3A_535, %dma_wait3A_538, %dma_wait3A_539] : memref<3x400x48xf32, #tpu.memory_space<vmem>> -> memref<1x104x48xf32, #tpu.memory_space<vmem>>
      %dma_wait3A_541 = tpu.memref_squeeze %dma_wait3A_540 : memref<1x104x48xf32, #tpu.memory_space<vmem>> -> memref<104x48xf32, #tpu.memory_space<vmem>>
      %dma_wait3A_542 = tpu.memref_slice %arg7[%add3A_534] : memref<25600xi32, #tpu.memory_space<vmem>> -> memref<104xi32, #tpu.memory_space<vmem>>
      %dma_wait3A_543 = arith.constant 0 : i32
      %dma_wait3A_544 = arith.constant 0 : i32
      %dma_wait3A_545 = tpu.memref_slice %arg4[%dma_wait3A_543, %dma_wait3A_544] : memref<1000001x48xf32, #tpu.memory_space<hbm>> -> memref<1000001x48xf32, #tpu.memory_space<hbm>>
      %dma_wait3A_546 = tpu.memref_slice %arg12[%dma_wait3A_536, %dma_wait3A_537] : memref<3x4x!tpu.dma_semaphore, #tpu.memory_space<semaphore_mem>> -> memref<1x1x!tpu.dma_semaphore, #tpu.memory_space<semaphore_mem>>
      %dma_wait3A_547 = tpu.memref_squeeze %dma_wait3A_546 : memref<1x1x!tpu.dma_semaphore, #tpu.memory_space<semaphore_mem>> -> memref<!tpu.dma_semaphore, #tpu.memory_space<semaphore_mem>>
      tpu.wait_indirect_dma semaphore(%dma_wait3A_547 : memref<!tpu.dma_semaphore, #tpu.memory_space<semaphore_mem>>) src(%dma_wait3A_545 : memref<1000001x48xf32, #tpu.memory_space<hbm>>) dst(%dma_wait3A_541 : memref<104x48xf32, #tpu.memory_space<vmem>>)
      %add3A_548 = arith.constant 208 : i32
      %add3A_549 = arith.addi %mul3A_517, %add3A_548 : i32
      %dma_wait3A_550 = arith.constant 1 : i32
      %dma_wait3A_551 = arith.constant 1 : i32
      %dma_wait3A_552 = arith.constant 2 : i32
      %dma_wait3A_553 = arith.constant 208 : i32
      %dma_wait3A_554 = arith.constant 0 : i32
      %dma_wait3A_555 = tpu.memref_slice %arg10[%dma_wait3A_550, %dma_wait3A_553, %dma_wait3A_554] : memref<3x400x48xf32, #tpu.memory_space<vmem>> -> memref<1x96x48xf32, #tpu.memory_space<vmem>>
      %dma_wait3A_556 = tpu.memref_squeeze %dma_wait3A_555 : memref<1x96x48xf32, #tpu.memory_space<vmem>> -> memref<96x48xf32, #tpu.memory_space<vmem>>
      %dma_wait3A_557 = tpu.memref_slice %arg7[%add3A_549] : memref<25600xi32, #tpu.memory_space<vmem>> -> memref<96xi32, #tpu.memory_space<vmem>>
      %dma_wait3A_558 = arith.constant 0 : i32
      %dma_wait3A_559 = arith.constant 0 : i32
      %dma_wait3A_560 = tpu.memref_slice %arg4[%dma_wait3A_558, %dma_wait3A_559] : memref<1000001x48xf32, #tpu.memory_space<hbm>> -> memref<1000001x48xf32, #tpu.memory_space<hbm>>
      %dma_wait3A_561 = tpu.memref_slice %arg12[%dma_wait3A_551, %dma_wait3A_552] : memref<3x4x!tpu.dma_semaphore, #tpu.memory_space<semaphore_mem>> -> memref<1x1x!tpu.dma_semaphore, #tpu.memory_space<semaphore_mem>>
      %dma_wait3A_562 = tpu.memref_squeeze %dma_wait3A_561 : memref<1x1x!tpu.dma_semaphore, #tpu.memory_space<semaphore_mem>> -> memref<!tpu.dma_semaphore, #tpu.memory_space<semaphore_mem>>
      tpu.wait_indirect_dma semaphore(%dma_wait3A_562 : memref<!tpu.dma_semaphore, #tpu.memory_space<semaphore_mem>>) src(%dma_wait3A_560 : memref<1000001x48xf32, #tpu.memory_space<hbm>>) dst(%dma_wait3A_556 : memref<96x48xf32, #tpu.memory_space<vmem>>)
      %add3A_563 = arith.constant 304 : i32
      %add3A_564 = arith.addi %mul3A_517, %add3A_563 : i32
      %dma_wait3A_565 = arith.constant 1 : i32
      %dma_wait3A_566 = arith.constant 1 : i32
      %dma_wait3A_567 = arith.constant 3 : i32
      %dma_wait3A_568 = arith.constant 304 : i32
      %dma_wait3A_569 = arith.constant 0 : i32
      %dma_wait3A_570 = tpu.memref_slice %arg10[%dma_wait3A_565, %dma_wait3A_568, %dma_wait3A_569] : memref<3x400x48xf32, #tpu.memory_space<vmem>> -> memref<1x96x48xf32, #tpu.memory_space<vmem>>
      %dma_wait3A_571 = tpu.memref_squeeze %dma_wait3A_570 : memref<1x96x48xf32, #tpu.memory_space<vmem>> -> memref<96x48xf32, #tpu.memory_space<vmem>>
      %dma_wait3A_572 = tpu.memref_slice %arg7[%add3A_564] : memref<25600xi32, #tpu.memory_space<vmem>> -> memref<96xi32, #tpu.memory_space<vmem>>
      %dma_wait3A_573 = arith.constant 0 : i32
      %dma_wait3A_574 = arith.constant 0 : i32
      %dma_wait3A_575 = tpu.memref_slice %arg4[%dma_wait3A_573, %dma_wait3A_574] : memref<1000001x48xf32, #tpu.memory_space<hbm>> -> memref<1000001x48xf32, #tpu.memory_space<hbm>>
      %dma_wait3A_576 = tpu.memref_slice %arg12[%dma_wait3A_566, %dma_wait3A_567] : memref<3x4x!tpu.dma_semaphore, #tpu.memory_space<semaphore_mem>> -> memref<1x1x!tpu.dma_semaphore, #tpu.memory_space<semaphore_mem>>
      %dma_wait3A_577 = tpu.memref_squeeze %dma_wait3A_576 : memref<1x1x!tpu.dma_semaphore, #tpu.memory_space<semaphore_mem>> -> memref<!tpu.dma_semaphore, #tpu.memory_space<semaphore_mem>>
      tpu.wait_indirect_dma semaphore(%dma_wait3A_577 : memref<!tpu.dma_semaphore, #tpu.memory_space<semaphore_mem>>) src(%dma_wait3A_575 : memref<1000001x48xf32, #tpu.memory_space<hbm>>) dst(%dma_wait3A_571 : memref<96x48xf32, #tpu.memory_space<vmem>>)
      %mul3A_578 = arith.constant 2 : i32
      %mul3A_579 = arith.muli %add3A_515, %mul3A_578 : i32
      %add3A_580 = arith.constant 0 : i32
      %add3A_581 = arith.addi %mul3A_579, %add3A_580 : i32
      %get3A_582 = arith.index_cast %add3A_581 : i32 to index
      %get3A_583 = arith.constant 0 : index
      %get3A_584 = tpu.vector_load %arg9[%get3A_582, %get3A_583] {strides = array<i32>} : memref<128x16xf32, #tpu.memory_space<vmem>>, vector<1x16xf32>,
      %get3A_585 = vector.shape_cast %get3A_584 : vector<1x16xf32> to vector<16xf32>
      %scan3A_586 = arith.constant 0 : i32
      %scan3A_587 = arith.constant 0 : i32
      %scan3A_588 = arith.constant 200 : i32
      %scan3A_589 = arith.addi %scan3A_587, %scan3A_588 : i32
      %scan3A_590 = arith.constant 1 : i32
      scf.for %scan3A_862 = %scan3A_587 to %scan3A_589 step %scan3A_590  : i32 {
        %add3A_863 = arith.constant 0 : i32
        %add3A_864 = arith.addi %add3A_863, %scan3A_862 : i32
        %swap3A = arith.constant 1 : i32
        %swap3A_865 = arith.index_cast %swap3A : i32 to index
        %swap3A_866 = arith.index_cast %add3A_864 : i32 to index
        %swap3A_867 = arith.constant 0 : index
        %swap3A_868 = tpu.vector_load %arg11[%swap3A_865, %swap3A_866, %swap3A_867] {strides = array<i32>} : memref<3x400x16xf32, #tpu.memory_space<vmem>>, vector<1x1x16xf32>,
        %swap3A_869 = vector.shape_cast %swap3A_868 : vector<1x1x16xf32> to vector<16xf32>
        %swap3A_870 = vector.shape_cast %get3A_585 : vector<16xf32> to vector<1x1x16xf32>
        tpu.vector_store %arg11[%swap3A_865, %swap3A_866, %swap3A_867], %swap3A_870 {strides = array<i32>} : memref<3x400x16xf32, #tpu.memory_space<vmem>>, vector<1x1x16xf32>,
      }
      %scan3A_591 = arith.constant 200 : i32
      %mul3A_592 = arith.constant 2 : i32
      %mul3A_593 = arith.muli %add3A_515, %mul3A_592 : i32
      %add3A_594 = arith.constant 1 : i32
      %add3A_595 = arith.addi %mul3A_593, %add3A_594 : i32
      %get3A_596 = arith.index_cast %add3A_595 : i32 to index
      %get3A_597 = arith.constant 0 : index
      %get3A_598 = tpu.vector_load %arg9[%get3A_596, %get3A_597] {strides = array<i32>} : memref<128x16xf32, #tpu.memory_space<vmem>>, vector<1x16xf32>,
      %get3A_599 = vector.shape_cast %get3A_598 : vector<1x16xf32> to vector<16xf32>
      %scan3A_600 = arith.constant 0 : i32
      %scan3A_601 = arith.constant 0 : i32
      %scan3A_602 = arith.constant 200 : i32
      %scan3A_603 = arith.addi %scan3A_601, %scan3A_602 : i32
      %scan3A_604 = arith.constant 1 : i32
      scf.for %scan3A_862 = %scan3A_601 to %scan3A_603 step %scan3A_604  : i32 {
        %add3A_863 = arith.constant 200 : i32
        %add3A_864 = arith.addi %add3A_863, %scan3A_862 : i32
        %swap3A = arith.constant 1 : i32
        %swap3A_865 = arith.index_cast %swap3A : i32 to index
        %swap3A_866 = arith.index_cast %add3A_864 : i32 to index
        %swap3A_867 = arith.constant 0 : index
        %swap3A_868 = tpu.vector_load %arg11[%swap3A_865, %swap3A_866, %swap3A_867] {strides = array<i32>} : memref<3x400x16xf32, #tpu.memory_space<vmem>>, vector<1x1x16xf32>,
        %swap3A_869 = vector.shape_cast %swap3A_868 : vector<1x1x16xf32> to vector<16xf32>
        %swap3A_870 = vector.shape_cast %get3A_599 : vector<16xf32> to vector<1x1x16xf32>
        tpu.vector_store %arg11[%swap3A_865, %swap3A_866, %swap3A_867], %swap3A_870 {strides = array<i32>} : memref<3x400x16xf32, #tpu.memory_space<vmem>>, vector<1x1x16xf32>,
      }
      %scan3A_605 = arith.constant 200 : i32
      %mul3A_606 = arith.constant 400 : i32
      %mul3A_607 = arith.muli %add3A_515, %mul3A_606 : i32
      %add3A_608 = arith.addi %mul3A_2, %mul3A_607 : i32
      %dma_start3A_609 = arith.constant 1 : i32
      %dma_start3A_610 = arith.constant 1 : i32
      %dma_start3A_611 = arith.constant 0 : i32
      %dma_start3A_612 = arith.constant 0 : i32
      %dma_start3A_613 = arith.constant 0 : i32
      %dma_start3A_614 = tpu.memref_slice %arg10[%dma_start3A_609, %dma_start3A_612, %dma_start3A_613] : memref<3x400x48xf32, #tpu.memory_space<vmem>> -> memref<1x400x48xf32, #tpu.memory_space<vmem>>
      %dma_start3A_615 = tpu.memref_squeeze %dma_start3A_614 : memref<1x400x48xf32, #tpu.memory_space<vmem>> -> memref<400x48xf32, #tpu.memory_space<vmem>>
      %dma_start3A_616 = arith.constant 0 : i32
      %dma_start3A_617 = tpu.memref_slice %arg6[%add3A_608, %dma_start3A_616] : memref<819200x64xf32, #tpu.memory_space<hbm>> -> memref<400x48xf32, #tpu.memory_space<hbm>>
      %dma_start3A_618 = tpu.memref_slice %arg13[%dma_start3A_610, %dma_start3A_611] : memref<3x2x!tpu.dma_semaphore, #tpu.memory_space<semaphore_mem>> -> memref<1x1x!tpu.dma_semaphore, #tpu.memory_space<semaphore_mem>>
      %dma_start3A_619 = tpu.memref_squeeze %dma_start3A_618 : memref<1x1x!tpu.dma_semaphore, #tpu.memory_space<semaphore_mem>> -> memref<!tpu.dma_semaphore, #tpu.memory_space<semaphore_mem>>
      %dma_start3A_620 = arith.constant 0 : i32
      %dma_start3A_621 = tpu.memref_slice %arg6[%add3A_608, %dma_start3A_620] : memref<819200x64xf32, #tpu.memory_space<hbm>> -> memref<400x48xf32, #tpu.memory_space<hbm>>
      %dma_start3A_622 = arith.constant 0 : i32
      %dma_start3A_623 = arith.constant 0 : i32
      %dma_start3A_624 = tpu.memref_slice %arg10[%dma_start3A_609, %dma_start3A_622, %dma_start3A_623] : memref<3x400x48xf32, #tpu.memory_space<vmem>> -> memref<1x400x48xf32, #tpu.memory_space<vmem>>
      %dma_start3A_625 = tpu.memref_squeeze %dma_start3A_624 : memref<1x400x48xf32, #tpu.memory_space<vmem>> -> memref<400x48xf32, #tpu.memory_space<vmem>>
      tpu.enqueue_dma source(%dma_start3A_625 : memref<400x48xf32, #tpu.memory_space<vmem>>) target(%dma_start3A_621 : memref<400x48xf32, #tpu.memory_space<hbm>>) target_semaphore(%dma_start3A_619 : memref<!tpu.dma_semaphore, #tpu.memory_space<semaphore_mem>>)
      %dma_start3A_626 = arith.constant 1 : i32
      %dma_start3A_627 = arith.constant 1 : i32
      %dma_start3A_628 = arith.constant 1 : i32
      %dma_start3A_629 = arith.constant 0 : i32
      %dma_start3A_630 = arith.constant 0 : i32
      %dma_start3A_631 = tpu.memref_slice %arg11[%dma_start3A_626, %dma_start3A_629, %dma_start3A_630] : memref<3x400x16xf32, #tpu.memory_space<vmem>> -> memref<1x400x16xf32, #tpu.memory_space<vmem>>
      %dma_start3A_632 = tpu.memref_squeeze %dma_start3A_631 : memref<1x400x16xf32, #tpu.memory_space<vmem>> -> memref<400x16xf32, #tpu.memory_space<vmem>>
      %dma_start3A_633 = arith.constant 48 : i32
      %dma_start3A_634 = tpu.memref_slice %arg6[%add3A_608, %dma_start3A_633] : memref<819200x64xf32, #tpu.memory_space<hbm>> -> memref<400x16xf32, #tpu.memory_space<hbm>>
      %dma_start3A_635 = tpu.memref_slice %arg13[%dma_start3A_627, %dma_start3A_628] : memref<3x2x!tpu.dma_semaphore, #tpu.memory_space<semaphore_mem>> -> memref<1x1x!tpu.dma_semaphore, #tpu.memory_space<semaphore_mem>>
      %dma_start3A_636 = tpu.memref_squeeze %dma_start3A_635 : memref<1x1x!tpu.dma_semaphore, #tpu.memory_space<semaphore_mem>> -> memref<!tpu.dma_semaphore, #tpu.memory_space<semaphore_mem>>
      %dma_start3A_637 = arith.constant 48 : i32
      %dma_start3A_638 = tpu.memref_slice %arg6[%add3A_608, %dma_start3A_637] : memref<819200x64xf32, #tpu.memory_space<hbm>> -> memref<400x16xf32, #tpu.memory_space<hbm>>
      %dma_start3A_639 = arith.constant 0 : i32
      %dma_start3A_640 = arith.constant 0 : i32
      %dma_start3A_641 = tpu.memref_slice %arg11[%dma_start3A_626, %dma_start3A_639, %dma_start3A_640] : memref<3x400x16xf32, #tpu.memory_space<vmem>> -> memref<1x400x16xf32, #tpu.memory_space<vmem>>
      %dma_start3A_642 = tpu.memref_squeeze %dma_start3A_641 : memref<1x400x16xf32, #tpu.memory_space<vmem>> -> memref<400x16xf32, #tpu.memory_space<vmem>>
      tpu.enqueue_dma source(%dma_start3A_642 : memref<400x16xf32, #tpu.memory_space<vmem>>) target(%dma_start3A_638 : memref<400x16xf32, #tpu.memory_space<hbm>>) target_semaphore(%dma_start3A_636 : memref<!tpu.dma_semaphore, #tpu.memory_space<semaphore_mem>>)
      %mul3A_643 = arith.constant 400 : i32
      %mul3A_644 = arith.muli %add3A_515, %mul3A_643 : i32
      %add3A_645 = arith.addi %mul3A_2, %mul3A_644 : i32
      %dma_wait3A_646 = arith.constant 1 : i32
      %dma_wait3A_647 = arith.constant 1 : i32
      %dma_wait3A_648 = arith.constant 0 : i32
      %dma_wait3A_649 = arith.constant 0 : i32
      %dma_wait3A_650 = arith.constant 0 : i32
      %dma_wait3A_651 = tpu.memref_slice %arg10[%dma_wait3A_646, %dma_wait3A_649, %dma_wait3A_650] : memref<3x400x48xf32, #tpu.memory_space<vmem>> -> memref<1x400x48xf32, #tpu.memory_space<vmem>>
      %dma_wait3A_652 = tpu.memref_squeeze %dma_wait3A_651 : memref<1x400x48xf32, #tpu.memory_space<vmem>> -> memref<400x48xf32, #tpu.memory_space<vmem>>
      %dma_wait3A_653 = arith.constant 0 : i32
      %dma_wait3A_654 = tpu.memref_slice %arg6[%add3A_645, %dma_wait3A_653] : memref<819200x64xf32, #tpu.memory_space<hbm>> -> memref<400x48xf32, #tpu.memory_space<hbm>>
      %dma_wait3A_655 = tpu.memref_slice %arg13[%dma_wait3A_647, %dma_wait3A_648] : memref<3x2x!tpu.dma_semaphore, #tpu.memory_space<semaphore_mem>> -> memref<1x1x!tpu.dma_semaphore, #tpu.memory_space<semaphore_mem>>
      %dma_wait3A_656 = tpu.memref_squeeze %dma_wait3A_655 : memref<1x1x!tpu.dma_semaphore, #tpu.memory_space<semaphore_mem>> -> memref<!tpu.dma_semaphore, #tpu.memory_space<semaphore_mem>>
      %dma_wait3A_657 = arith.constant 0 : i32
      %dma_wait3A_658 = tpu.memref_slice %arg6[%add3A_645, %dma_wait3A_657] : memref<819200x64xf32, #tpu.memory_space<hbm>> -> memref<400x48xf32, #tpu.memory_space<hbm>>
      %dma_wait3A_659 = arith.constant 0 : i32
      %dma_wait3A_660 = arith.constant 0 : i32
      %dma_wait3A_661 = tpu.memref_slice %arg10[%dma_wait3A_646, %dma_wait3A_659, %dma_wait3A_660] : memref<3x400x48xf32, #tpu.memory_space<vmem>> -> memref<1x400x48xf32, #tpu.memory_space<vmem>>
      %dma_wait3A_662 = tpu.memref_squeeze %dma_wait3A_661 : memref<1x400x48xf32, #tpu.memory_space<vmem>> -> memref<400x48xf32, #tpu.memory_space<vmem>>
      tpu.wait_dma2 semaphore(%dma_wait3A_656 : memref<!tpu.dma_semaphore, #tpu.memory_space<semaphore_mem>>) src(%dma_wait3A_662 : memref<400x48xf32, #tpu.memory_space<vmem>>) dst(%dma_wait3A_658 : memref<400x48xf32, #tpu.memory_space<hbm>>)
      %dma_wait3A_663 = arith.constant 1 : i32
      %dma_wait3A_664 = arith.constant 1 : i32
      %dma_wait3A_665 = arith.constant 1 : i32
      %dma_wait3A_666 = arith.constant 0 : i32
      %dma_wait3A_667 = arith.constant 0 : i32
      %dma_wait3A_668 = tpu.memref_slice %arg11[%dma_wait3A_663, %dma_wait3A_666, %dma_wait3A_667] : memref<3x400x16xf32, #tpu.memory_space<vmem>> -> memref<1x400x16xf32, #tpu.memory_space<vmem>>
      %dma_wait3A_669 = tpu.memref_squeeze %dma_wait3A_668 : memref<1x400x16xf32, #tpu.memory_space<vmem>> -> memref<400x16xf32, #tpu.memory_space<vmem>>
      %dma_wait3A_670 = arith.constant 48 : i32
      %dma_wait3A_671 = tpu.memref_slice %arg6[%add3A_645, %dma_wait3A_670] : memref<819200x64xf32, #tpu.memory_space<hbm>> -> memref<400x16xf32, #tpu.memory_space<hbm>>
      %dma_wait3A_672 = tpu.memref_slice %arg13[%dma_wait3A_664, %dma_wait3A_665] : memref<3x2x!tpu.dma_semaphore, #tpu.memory_space<semaphore_mem>> -> memref<1x1x!tpu.dma_semaphore, #tpu.memory_space<semaphore_mem>>
      %dma_wait3A_673 = tpu.memref_squeeze %dma_wait3A_672 : memref<1x1x!tpu.dma_semaphore, #tpu.memory_space<semaphore_mem>> -> memref<!tpu.dma_semaphore, #tpu.memory_space<semaphore_mem>>
      %dma_wait3A_674 = arith.constant 48 : i32
      %dma_wait3A_675 = tpu.memref_slice %arg6[%add3A_645, %dma_wait3A_674] : memref<819200x64xf32, #tpu.memory_space<hbm>> -> memref<400x16xf32, #tpu.memory_space<hbm>>
      %dma_wait3A_676 = arith.constant 0 : i32
      %dma_wait3A_677 = arith.constant 0 : i32
      %dma_wait3A_678 = tpu.memref_slice %arg11[%dma_wait3A_663, %dma_wait3A_676, %dma_wait3A_677] : memref<3x400x16xf32, #tpu.memory_space<vmem>> -> memref<1x400x16xf32, #tpu.memory_space<vmem>>
      %dma_wait3A_679 = tpu.memref_squeeze %dma_wait3A_678 : memref<1x400x16xf32, #tpu.memory_space<vmem>> -> memref<400x16xf32, #tpu.memory_space<vmem>>
      tpu.wait_dma2 semaphore(%dma_wait3A_673 : memref<!tpu.dma_semaphore, #tpu.memory_space<semaphore_mem>>) src(%dma_wait3A_679 : memref<400x16xf32, #tpu.memory_space<vmem>>) dst(%dma_wait3A_675 : memref<400x16xf32, #tpu.memory_space<hbm>>)
      %add3A_680 = arith.constant 3 : i32
      %add3A_681 = arith.addi %add3A_515, %add3A_680 : i32
      %lt3A_682 = arith.constant 64 : i32
      %lt3A_683 = arith.cmpi slt, %add3A_681, %lt3A_682 : i32
      %convert_element_type3A_684 = arith.extui %lt3A_683 : i1 to i32
      %cond3A_685 = arith.constant 0 : i32
      %cond3A_686 = arith.cmpi ne, %convert_element_type3A_684, %cond3A_685 : i32
      scf.if %cond3A_686 {
        %add3A_862 = arith.constant 3 : i32
        %add3A_863 = arith.addi %add3A_515, %add3A_862 : i32
        %mul3A_864 = arith.constant 400 : i32
        %mul3A_865 = arith.muli %add3A_863, %mul3A_864 : i32
        %add3A_866 = arith.constant 0 : i32
        %add3A_867 = arith.addi %mul3A_865, %add3A_866 : i32
        %dma_start3A_868 = arith.constant 1 : i32
        %dma_start3A_869 = arith.constant 1 : i32
        %dma_start3A_870 = arith.constant 0 : i32
        %dma_start3A_871 = arith.constant 0 : i32
        %dma_start3A_872 = arith.constant 0 : i32
        %dma_start3A_873 = tpu.memref_slice %arg10[%dma_start3A_868, %dma_start3A_871, %dma_start3A_872] : memref<3x400x48xf32, #tpu.memory_space<vmem>> -> memref<1x104x48xf32, #tpu.memory_space<vmem>>
        %dma_start3A_874 = tpu.memref_squeeze %dma_start3A_873 : memref<1x104x48xf32, #tpu.memory_space<vmem>> -> memref<104x48xf32, #tpu.memory_space<vmem>>
        %dma_start3A_875 = tpu.memref_slice %arg7[%add3A_867] : memref<25600xi32, #tpu.memory_space<vmem>> -> memref<104xi32, #tpu.memory_space<vmem>>
        %dma_start3A_876 = arith.constant 0 : i32
        %dma_start3A_877 = arith.constant 0 : i32
        %dma_start3A_878 = tpu.memref_slice %arg4[%dma_start3A_876, %dma_start3A_877] : memref<1000001x48xf32, #tpu.memory_space<hbm>> -> memref<1000001x48xf32, #tpu.memory_space<hbm>>
        %dma_start3A_879 = tpu.memref_slice %arg12[%dma_start3A_869, %dma_start3A_870] : memref<3x4x!tpu.dma_semaphore, #tpu.memory_space<semaphore_mem>> -> memref<1x1x!tpu.dma_semaphore, #tpu.memory_space<semaphore_mem>>
        %dma_start3A_880 = tpu.memref_squeeze %dma_start3A_879 : memref<1x1x!tpu.dma_semaphore, #tpu.memory_space<semaphore_mem>> -> memref<!tpu.dma_semaphore, #tpu.memory_space<semaphore_mem>>
        tpu.enqueue_indirect_dma source(%dma_start3A_878 : memref<1000001x48xf32, #tpu.memory_space<hbm>>) target(%dma_start3A_874 : memref<104x48xf32, #tpu.memory_space<vmem>>) offsets(%dma_start3A_875 : memref<104xi32, #tpu.memory_space<vmem>>) semaphore(%dma_start3A_880 : memref<!tpu.dma_semaphore, #tpu.memory_space<semaphore_mem>>)
        %add3A_881 = arith.constant 104 : i32
        %add3A_882 = arith.addi %mul3A_865, %add3A_881 : i32
        %dma_start3A_883 = arith.constant 1 : i32
        %dma_start3A_884 = arith.constant 1 : i32
        %dma_start3A_885 = arith.constant 1 : i32
        %dma_start3A_886 = arith.constant 104 : i32
        %dma_start3A_887 = arith.constant 0 : i32
        %dma_start3A_888 = tpu.memref_slice %arg10[%dma_start3A_883, %dma_start3A_886, %dma_start3A_887] : memref<3x400x48xf32, #tpu.memory_space<vmem>> -> memref<1x104x48xf32, #tpu.memory_space<vmem>>
        %dma_start3A_889 = tpu.memref_squeeze %dma_start3A_888 : memref<1x104x48xf32, #tpu.memory_space<vmem>> -> memref<104x48xf32, #tpu.memory_space<vmem>>
        %dma_start3A_890 = tpu.memref_slice %arg7[%add3A_882] : memref<25600xi32, #tpu.memory_space<vmem>> -> memref<104xi32, #tpu.memory_space<vmem>>
        %dma_start3A_891 = arith.constant 0 : i32
        %dma_start3A_892 = arith.constant 0 : i32
        %dma_start3A_893 = tpu.memref_slice %arg4[%dma_start3A_891, %dma_start3A_892] : memref<1000001x48xf32, #tpu.memory_space<hbm>> -> memref<1000001x48xf32, #tpu.memory_space<hbm>>
        %dma_start3A_894 = tpu.memref_slice %arg12[%dma_start3A_884, %dma_start3A_885] : memref<3x4x!tpu.dma_semaphore, #tpu.memory_space<semaphore_mem>> -> memref<1x1x!tpu.dma_semaphore, #tpu.memory_space<semaphore_mem>>
        %dma_start3A_895 = tpu.memref_squeeze %dma_start3A_894 : memref<1x1x!tpu.dma_semaphore, #tpu.memory_space<semaphore_mem>> -> memref<!tpu.dma_semaphore, #tpu.memory_space<semaphore_mem>>
        tpu.enqueue_indirect_dma source(%dma_start3A_893 : memref<1000001x48xf32, #tpu.memory_space<hbm>>) target(%dma_start3A_889 : memref<104x48xf32, #tpu.memory_space<vmem>>) offsets(%dma_start3A_890 : memref<104xi32, #tpu.memory_space<vmem>>) semaphore(%dma_start3A_895 : memref<!tpu.dma_semaphore, #tpu.memory_space<semaphore_mem>>)
        %add3A_896 = arith.constant 208 : i32
        %add3A_897 = arith.addi %mul3A_865, %add3A_896 : i32
        %dma_start3A_898 = arith.constant 1 : i32
        %dma_start3A_899 = arith.constant 1 : i32
        %dma_start3A_900 = arith.constant 2 : i32
        %dma_start3A_901 = arith.constant 208 : i32
        %dma_start3A_902 = arith.constant 0 : i32
        %dma_start3A_903 = tpu.memref_slice %arg10[%dma_start3A_898, %dma_start3A_901, %dma_start3A_902] : memref<3x400x48xf32, #tpu.memory_space<vmem>> -> memref<1x96x48xf32, #tpu.memory_space<vmem>>
        %dma_start3A_904 = tpu.memref_squeeze %dma_start3A_903 : memref<1x96x48xf32, #tpu.memory_space<vmem>> -> memref<96x48xf32, #tpu.memory_space<vmem>>
        %dma_start3A_905 = tpu.memref_slice %arg7[%add3A_897] : memref<25600xi32, #tpu.memory_space<vmem>> -> memref<96xi32, #tpu.memory_space<vmem>>
        %dma_start3A_906 = arith.constant 0 : i32
        %dma_start3A_907 = arith.constant 0 : i32
        %dma_start3A_908 = tpu.memref_slice %arg4[%dma_start3A_906, %dma_start3A_907] : memref<1000001x48xf32, #tpu.memory_space<hbm>> -> memref<1000001x48xf32, #tpu.memory_space<hbm>>
        %dma_start3A_909 = tpu.memref_slice %arg12[%dma_start3A_899, %dma_start3A_900] : memref<3x4x!tpu.dma_semaphore, #tpu.memory_space<semaphore_mem>> -> memref<1x1x!tpu.dma_semaphore, #tpu.memory_space<semaphore_mem>>
        %dma_start3A_910 = tpu.memref_squeeze %dma_start3A_909 : memref<1x1x!tpu.dma_semaphore, #tpu.memory_space<semaphore_mem>> -> memref<!tpu.dma_semaphore, #tpu.memory_space<semaphore_mem>>
        tpu.enqueue_indirect_dma source(%dma_start3A_908 : memref<1000001x48xf32, #tpu.memory_space<hbm>>) target(%dma_start3A_904 : memref<96x48xf32, #tpu.memory_space<vmem>>) offsets(%dma_start3A_905 : memref<96xi32, #tpu.memory_space<vmem>>) semaphore(%dma_start3A_910 : memref<!tpu.dma_semaphore, #tpu.memory_space<semaphore_mem>>)
        %add3A_911 = arith.constant 304 : i32
        %add3A_912 = arith.addi %mul3A_865, %add3A_911 : i32
        %dma_start3A_913 = arith.constant 1 : i32
        %dma_start3A_914 = arith.constant 1 : i32
        %dma_start3A_915 = arith.constant 3 : i32
        %dma_start3A_916 = arith.constant 304 : i32
        %dma_start3A_917 = arith.constant 0 : i32
        %dma_start3A_918 = tpu.memref_slice %arg10[%dma_start3A_913, %dma_start3A_916, %dma_start3A_917] : memref<3x400x48xf32, #tpu.memory_space<vmem>> -> memref<1x96x48xf32, #tpu.memory_space<vmem>>
        %dma_start3A_919 = tpu.memref_squeeze %dma_start3A_918 : memref<1x96x48xf32, #tpu.memory_space<vmem>> -> memref<96x48xf32, #tpu.memory_space<vmem>>
        %dma_start3A_920 = tpu.memref_slice %arg7[%add3A_912] : memref<25600xi32, #tpu.memory_space<vmem>> -> memref<96xi32, #tpu.memory_space<vmem>>
        %dma_start3A_921 = arith.constant 0 : i32
        %dma_start3A_922 = arith.constant 0 : i32
        %dma_start3A_923 = tpu.memref_slice %arg4[%dma_start3A_921, %dma_start3A_922] : memref<1000001x48xf32, #tpu.memory_space<hbm>> -> memref<1000001x48xf32, #tpu.memory_space<hbm>>
        %dma_start3A_924 = tpu.memref_slice %arg12[%dma_start3A_914, %dma_start3A_915] : memref<3x4x!tpu.dma_semaphore, #tpu.memory_space<semaphore_mem>> -> memref<1x1x!tpu.dma_semaphore, #tpu.memory_space<semaphore_mem>>
        %dma_start3A_925 = tpu.memref_squeeze %dma_start3A_924 : memref<1x1x!tpu.dma_semaphore, #tpu.memory_space<semaphore_mem>> -> memref<!tpu.dma_semaphore, #tpu.memory_space<semaphore_mem>>
        tpu.enqueue_indirect_dma source(%dma_start3A_923 : memref<1000001x48xf32, #tpu.memory_space<hbm>>) target(%dma_start3A_919 : memref<96x48xf32, #tpu.memory_space<vmem>>) offsets(%dma_start3A_920 : memref<96xi32, #tpu.memory_space<vmem>>) semaphore(%dma_start3A_925 : memref<!tpu.dma_semaphore, #tpu.memory_space<semaphore_mem>>)
      } else {
      }
      %mul3A_687 = arith.constant 3 : i32
      %mul3A_688 = arith.muli %scan3A_339, %mul3A_687 : i32
      %add3A_689 = arith.constant 2 : i32
      %add3A_690 = arith.addi %mul3A_688, %add3A_689 : i32
      %mul3A_691 = arith.constant 400 : i32
      %mul3A_692 = arith.muli %add3A_690, %mul3A_691 : i32
      %add3A_693 = arith.constant 0 : i32
      %add3A_694 = arith.addi %mul3A_692, %add3A_693 : i32
      %dma_wait3A_695 = arith.constant 2 : i32
      %dma_wait3A_696 = arith.constant 2 : i32
      %dma_wait3A_697 = arith.constant 0 : i32
      %dma_wait3A_698 = arith.constant 0 : i32
      %dma_wait3A_699 = arith.constant 0 : i32
      %dma_wait3A_700 = tpu.memref_slice %arg10[%dma_wait3A_695, %dma_wait3A_698, %dma_wait3A_699] : memref<3x400x48xf32, #tpu.memory_space<vmem>> -> memref<1x104x48xf32, #tpu.memory_space<vmem>>
      %dma_wait3A_701 = tpu.memref_squeeze %dma_wait3A_700 : memref<1x104x48xf32, #tpu.memory_space<vmem>> -> memref<104x48xf32, #tpu.memory_space<vmem>>
      %dma_wait3A_702 = tpu.memref_slice %arg7[%add3A_694] : memref<25600xi32, #tpu.memory_space<vmem>> -> memref<104xi32, #tpu.memory_space<vmem>>
      %dma_wait3A_703 = arith.constant 0 : i32
      %dma_wait3A_704 = arith.constant 0 : i32
      %dma_wait3A_705 = tpu.memref_slice %arg4[%dma_wait3A_703, %dma_wait3A_704] : memref<1000001x48xf32, #tpu.memory_space<hbm>> -> memref<1000001x48xf32, #tpu.memory_space<hbm>>
      %dma_wait3A_706 = tpu.memref_slice %arg12[%dma_wait3A_696, %dma_wait3A_697] : memref<3x4x!tpu.dma_semaphore, #tpu.memory_space<semaphore_mem>> -> memref<1x1x!tpu.dma_semaphore, #tpu.memory_space<semaphore_mem>>
      %dma_wait3A_707 = tpu.memref_squeeze %dma_wait3A_706 : memref<1x1x!tpu.dma_semaphore, #tpu.memory_space<semaphore_mem>> -> memref<!tpu.dma_semaphore, #tpu.memory_space<semaphore_mem>>
      tpu.wait_indirect_dma semaphore(%dma_wait3A_707 : memref<!tpu.dma_semaphore, #tpu.memory_space<semaphore_mem>>) src(%dma_wait3A_705 : memref<1000001x48xf32, #tpu.memory_space<hbm>>) dst(%dma_wait3A_701 : memref<104x48xf32, #tpu.memory_space<vmem>>)
      %add3A_708 = arith.constant 104 : i32
      %add3A_709 = arith.addi %mul3A_692, %add3A_708 : i32
      %dma_wait3A_710 = arith.constant 2 : i32
      %dma_wait3A_711 = arith.constant 2 : i32
      %dma_wait3A_712 = arith.constant 1 : i32
      %dma_wait3A_713 = arith.constant 104 : i32
      %dma_wait3A_714 = arith.constant 0 : i32
      %dma_wait3A_715 = tpu.memref_slice %arg10[%dma_wait3A_710, %dma_wait3A_713, %dma_wait3A_714] : memref<3x400x48xf32, #tpu.memory_space<vmem>> -> memref<1x104x48xf32, #tpu.memory_space<vmem>>
      %dma_wait3A_716 = tpu.memref_squeeze %dma_wait3A_715 : memref<1x104x48xf32, #tpu.memory_space<vmem>> -> memref<104x48xf32, #tpu.memory_space<vmem>>
      %dma_wait3A_717 = tpu.memref_slice %arg7[%add3A_709] : memref<25600xi32, #tpu.memory_space<vmem>> -> memref<104xi32, #tpu.memory_space<vmem>>
      %dma_wait3A_718 = arith.constant 0 : i32
      %dma_wait3A_719 = arith.constant 0 : i32
      %dma_wait3A_720 = tpu.memref_slice %arg4[%dma_wait3A_718, %dma_wait3A_719] : memref<1000001x48xf32, #tpu.memory_space<hbm>> -> memref<1000001x48xf32, #tpu.memory_space<hbm>>
      %dma_wait3A_721 = tpu.memref_slice %arg12[%dma_wait3A_711, %dma_wait3A_712] : memref<3x4x!tpu.dma_semaphore, #tpu.memory_space<semaphore_mem>> -> memref<1x1x!tpu.dma_semaphore, #tpu.memory_space<semaphore_mem>>
      %dma_wait3A_722 = tpu.memref_squeeze %dma_wait3A_721 : memref<1x1x!tpu.dma_semaphore, #tpu.memory_space<semaphore_mem>> -> memref<!tpu.dma_semaphore, #tpu.memory_space<semaphore_mem>>
      tpu.wait_indirect_dma semaphore(%dma_wait3A_722 : memref<!tpu.dma_semaphore, #tpu.memory_space<semaphore_mem>>) src(%dma_wait3A_720 : memref<1000001x48xf32, #tpu.memory_space<hbm>>) dst(%dma_wait3A_716 : memref<104x48xf32, #tpu.memory_space<vmem>>)
      %add3A_723 = arith.constant 208 : i32
      %add3A_724 = arith.addi %mul3A_692, %add3A_723 : i32
      %dma_wait3A_725 = arith.constant 2 : i32
      %dma_wait3A_726 = arith.constant 2 : i32
      %dma_wait3A_727 = arith.constant 2 : i32
      %dma_wait3A_728 = arith.constant 208 : i32
      %dma_wait3A_729 = arith.constant 0 : i32
      %dma_wait3A_730 = tpu.memref_slice %arg10[%dma_wait3A_725, %dma_wait3A_728, %dma_wait3A_729] : memref<3x400x48xf32, #tpu.memory_space<vmem>> -> memref<1x96x48xf32, #tpu.memory_space<vmem>>
      %dma_wait3A_731 = tpu.memref_squeeze %dma_wait3A_730 : memref<1x96x48xf32, #tpu.memory_space<vmem>> -> memref<96x48xf32, #tpu.memory_space<vmem>>
      %dma_wait3A_732 = tpu.memref_slice %arg7[%add3A_724] : memref<25600xi32, #tpu.memory_space<vmem>> -> memref<96xi32, #tpu.memory_space<vmem>>
      %dma_wait3A_733 = arith.constant 0 : i32
      %dma_wait3A_734 = arith.constant 0 : i32
      %dma_wait3A_735 = tpu.memref_slice %arg4[%dma_wait3A_733, %dma_wait3A_734] : memref<1000001x48xf32, #tpu.memory_space<hbm>> -> memref<1000001x48xf32, #tpu.memory_space<hbm>>
      %dma_wait3A_736 = tpu.memref_slice %arg12[%dma_wait3A_726, %dma_wait3A_727] : memref<3x4x!tpu.dma_semaphore, #tpu.memory_space<semaphore_mem>> -> memref<1x1x!tpu.dma_semaphore, #tpu.memory_space<semaphore_mem>>
      %dma_wait3A_737 = tpu.memref_squeeze %dma_wait3A_736 : memref<1x1x!tpu.dma_semaphore, #tpu.memory_space<semaphore_mem>> -> memref<!tpu.dma_semaphore, #tpu.memory_space<semaphore_mem>>
      tpu.wait_indirect_dma semaphore(%dma_wait3A_737 : memref<!tpu.dma_semaphore, #tpu.memory_space<semaphore_mem>>) src(%dma_wait3A_735 : memref<1000001x48xf32, #tpu.memory_space<hbm>>) dst(%dma_wait3A_731 : memref<96x48xf32, #tpu.memory_space<vmem>>)
      %add3A_738 = arith.constant 304 : i32
      %add3A_739 = arith.addi %mul3A_692, %add3A_738 : i32
      %dma_wait3A_740 = arith.constant 2 : i32
      %dma_wait3A_741 = arith.constant 2 : i32
      %dma_wait3A_742 = arith.constant 3 : i32
      %dma_wait3A_743 = arith.constant 304 : i32
      %dma_wait3A_744 = arith.constant 0 : i32
      %dma_wait3A_745 = tpu.memref_slice %arg10[%dma_wait3A_740, %dma_wait3A_743, %dma_wait3A_744] : memref<3x400x48xf32, #tpu.memory_space<vmem>> -> memref<1x96x48xf32, #tpu.memory_space<vmem>>
      %dma_wait3A_746 = tpu.memref_squeeze %dma_wait3A_745 : memref<1x96x48xf32, #tpu.memory_space<vmem>> -> memref<96x48xf32, #tpu.memory_space<vmem>>
      %dma_wait3A_747 = tpu.memref_slice %arg7[%add3A_739] : memref<25600xi32, #tpu.memory_space<vmem>> -> memref<96xi32, #tpu.memory_space<vmem>>
      %dma_wait3A_748 = arith.constant 0 : i32
      %dma_wait3A_749 = arith.constant 0 : i32
      %dma_wait3A_750 = tpu.memref_slice %arg4[%dma_wait3A_748, %dma_wait3A_749] : memref<1000001x48xf32, #tpu.memory_space<hbm>> -> memref<1000001x48xf32, #tpu.memory_space<hbm>>
      %dma_wait3A_751 = tpu.memref_slice %arg12[%dma_wait3A_741, %dma_wait3A_742] : memref<3x4x!tpu.dma_semaphore, #tpu.memory_space<semaphore_mem>> -> memref<1x1x!tpu.dma_semaphore, #tpu.memory_space<semaphore_mem>>
      %dma_wait3A_752 = tpu.memref_squeeze %dma_wait3A_751 : memref<1x1x!tpu.dma_semaphore, #tpu.memory_space<semaphore_mem>> -> memref<!tpu.dma_semaphore, #tpu.memory_space<semaphore_mem>>
      tpu.wait_indirect_dma semaphore(%dma_wait3A_752 : memref<!tpu.dma_semaphore, #tpu.memory_space<semaphore_mem>>) src(%dma_wait3A_750 : memref<1000001x48xf32, #tpu.memory_space<hbm>>) dst(%dma_wait3A_746 : memref<96x48xf32, #tpu.memory_space<vmem>>)
      %mul3A_753 = arith.constant 2 : i32
      %mul3A_754 = arith.muli %add3A_690, %mul3A_753 : i32
      %add3A_755 = arith.constant 0 : i32
      %add3A_756 = arith.addi %mul3A_754, %add3A_755 : i32
      %get3A_757 = arith.index_cast %add3A_756 : i32 to index
      %get3A_758 = arith.constant 0 : index
      %get3A_759 = tpu.vector_load %arg9[%get3A_757, %get3A_758] {strides = array<i32>} : memref<128x16xf32, #tpu.memory_space<vmem>>, vector<1x16xf32>,
      %get3A_760 = vector.shape_cast %get3A_759 : vector<1x16xf32> to vector<16xf32>
      %scan3A_761 = arith.constant 0 : i32
      %scan3A_762 = arith.constant 0 : i32
      %scan3A_763 = arith.constant 200 : i32
      %scan3A_764 = arith.addi %scan3A_762, %scan3A_763 : i32
      %scan3A_765 = arith.constant 1 : i32
      scf.for %scan3A_862 = %scan3A_762 to %scan3A_764 step %scan3A_765  : i32 {
        %add3A_863 = arith.constant 0 : i32
        %add3A_864 = arith.addi %add3A_863, %scan3A_862 : i32
        %swap3A = arith.constant 2 : i32
        %swap3A_865 = arith.index_cast %swap3A : i32 to index
        %swap3A_866 = arith.index_cast %add3A_864 : i32 to index
        %swap3A_867 = arith.constant 0 : index
        %swap3A_868 = tpu.vector_load %arg11[%swap3A_865, %swap3A_866, %swap3A_867] {strides = array<i32>} : memref<3x400x16xf32, #tpu.memory_space<vmem>>, vector<1x1x16xf32>,
        %swap3A_869 = vector.shape_cast %swap3A_868 : vector<1x1x16xf32> to vector<16xf32>
        %swap3A_870 = vector.shape_cast %get3A_760 : vector<16xf32> to vector<1x1x16xf32>
        tpu.vector_store %arg11[%swap3A_865, %swap3A_866, %swap3A_867], %swap3A_870 {strides = array<i32>} : memref<3x400x16xf32, #tpu.memory_space<vmem>>, vector<1x1x16xf32>,
      }
      %scan3A_766 = arith.constant 200 : i32
      %mul3A_767 = arith.constant 2 : i32
      %mul3A_768 = arith.muli %add3A_690, %mul3A_767 : i32
      %add3A_769 = arith.constant 1 : i32
      %add3A_770 = arith.addi %mul3A_768, %add3A_769 : i32
      %get3A_771 = arith.index_cast %add3A_770 : i32 to index
      %get3A_772 = arith.constant 0 : index
      %get3A_773 = tpu.vector_load %arg9[%get3A_771, %get3A_772] {strides = array<i32>} : memref<128x16xf32, #tpu.memory_space<vmem>>, vector<1x16xf32>,
      %get3A_774 = vector.shape_cast %get3A_773 : vector<1x16xf32> to vector<16xf32>
      %scan3A_775 = arith.constant 0 : i32
      %scan3A_776 = arith.constant 0 : i32
      %scan3A_777 = arith.constant 200 : i32
      %scan3A_778 = arith.addi %scan3A_776, %scan3A_777 : i32
      %scan3A_779 = arith.constant 1 : i32
      scf.for %scan3A_862 = %scan3A_776 to %scan3A_778 step %scan3A_779  : i32 {
        %add3A_863 = arith.constant 200 : i32
        %add3A_864 = arith.addi %add3A_863, %scan3A_862 : i32
        %swap3A = arith.constant 2 : i32
        %swap3A_865 = arith.index_cast %swap3A : i32 to index
        %swap3A_866 = arith.index_cast %add3A_864 : i32 to index
        %swap3A_867 = arith.constant 0 : index
        %swap3A_868 = tpu.vector_load %arg11[%swap3A_865, %swap3A_866, %swap3A_867] {strides = array<i32>} : memref<3x400x16xf32, #tpu.memory_space<vmem>>, vector<1x1x16xf32>,
        %swap3A_869 = vector.shape_cast %swap3A_868 : vector<1x1x16xf32> to vector<16xf32>
        %swap3A_870 = vector.shape_cast %get3A_774 : vector<16xf32> to vector<1x1x16xf32>
        tpu.vector_store %arg11[%swap3A_865, %swap3A_866, %swap3A_867], %swap3A_870 {strides = array<i32>} : memref<3x400x16xf32, #tpu.memory_space<vmem>>, vector<1x1x16xf32>,
      }
      %scan3A_780 = arith.constant 200 : i32
      %mul3A_781 = arith.constant 400 : i32
      %mul3A_782 = arith.muli %add3A_690, %mul3A_781 : i32
      %add3A_783 = arith.addi %mul3A_2, %mul3A_782 : i32
      %dma_start3A_784 = arith.constant 2 : i32
      %dma_start3A_785 = arith.constant 2 : i32
      %dma_start3A_786 = arith.constant 0 : i32
      %dma_start3A_787 = arith.constant 0 : i32
      %dma_start3A_788 = arith.constant 0 : i32
      %dma_start3A_789 = tpu.memref_slice %arg10[%dma_start3A_784, %dma_start3A_787, %dma_start3A_788] : memref<3x400x48xf32, #tpu.memory_space<vmem>> -> memref<1x400x48xf32, #tpu.memory_space<vmem>>
      %dma_start3A_790 = tpu.memref_squeeze %dma_start3A_789 : memref<1x400x48xf32, #tpu.memory_space<vmem>> -> memref<400x48xf32, #tpu.memory_space<vmem>>
      %dma_start3A_791 = arith.constant 0 : i32
      %dma_start3A_792 = tpu.memref_slice %arg6[%add3A_783, %dma_start3A_791] : memref<819200x64xf32, #tpu.memory_space<hbm>> -> memref<400x48xf32, #tpu.memory_space<hbm>>
      %dma_start3A_793 = tpu.memref_slice %arg13[%dma_start3A_785, %dma_start3A_786] : memref<3x2x!tpu.dma_semaphore, #tpu.memory_space<semaphore_mem>> -> memref<1x1x!tpu.dma_semaphore, #tpu.memory_space<semaphore_mem>>
      %dma_start3A_794 = tpu.memref_squeeze %dma_start3A_793 : memref<1x1x!tpu.dma_semaphore, #tpu.memory_space<semaphore_mem>> -> memref<!tpu.dma_semaphore, #tpu.memory_space<semaphore_mem>>
      %dma_start3A_795 = arith.constant 0 : i32
      %dma_start3A_796 = tpu.memref_slice %arg6[%add3A_783, %dma_start3A_795] : memref<819200x64xf32, #tpu.memory_space<hbm>> -> memref<400x48xf32, #tpu.memory_space<hbm>>
      %dma_start3A_797 = arith.constant 0 : i32
      %dma_start3A_798 = arith.constant 0 : i32
      %dma_start3A_799 = tpu.memref_slice %arg10[%dma_start3A_784, %dma_start3A_797, %dma_start3A_798] : memref<3x400x48xf32, #tpu.memory_space<vmem>> -> memref<1x400x48xf32, #tpu.memory_space<vmem>>
      %dma_start3A_800 = tpu.memref_squeeze %dma_start3A_799 : memref<1x400x48xf32, #tpu.memory_space<vmem>> -> memref<400x48xf32, #tpu.memory_space<vmem>>
      tpu.enqueue_dma source(%dma_start3A_800 : memref<400x48xf32, #tpu.memory_space<vmem>>) target(%dma_start3A_796 : memref<400x48xf32, #tpu.memory_space<hbm>>) target_semaphore(%dma_start3A_794 : memref<!tpu.dma_semaphore, #tpu.memory_space<semaphore_mem>>)
      %dma_start3A_801 = arith.constant 2 : i32
      %dma_start3A_802 = arith.constant 2 : i32
      %dma_start3A_803 = arith.constant 1 : i32
      %dma_start3A_804 = arith.constant 0 : i32
      %dma_start3A_805 = arith.constant 0 : i32
      %dma_start3A_806 = tpu.memref_slice %arg11[%dma_start3A_801, %dma_start3A_804, %dma_start3A_805] : memref<3x400x16xf32, #tpu.memory_space<vmem>> -> memref<1x400x16xf32, #tpu.memory_space<vmem>>
      %dma_start3A_807 = tpu.memref_squeeze %dma_start3A_806 : memref<1x400x16xf32, #tpu.memory_space<vmem>> -> memref<400x16xf32, #tpu.memory_space<vmem>>
      %dma_start3A_808 = arith.constant 48 : i32
      %dma_start3A_809 = tpu.memref_slice %arg6[%add3A_783, %dma_start3A_808] : memref<819200x64xf32, #tpu.memory_space<hbm>> -> memref<400x16xf32, #tpu.memory_space<hbm>>
      %dma_start3A_810 = tpu.memref_slice %arg13[%dma_start3A_802, %dma_start3A_803] : memref<3x2x!tpu.dma_semaphore, #tpu.memory_space<semaphore_mem>> -> memref<1x1x!tpu.dma_semaphore, #tpu.memory_space<semaphore_mem>>
      %dma_start3A_811 = tpu.memref_squeeze %dma_start3A_810 : memref<1x1x!tpu.dma_semaphore, #tpu.memory_space<semaphore_mem>> -> memref<!tpu.dma_semaphore, #tpu.memory_space<semaphore_mem>>
      %dma_start3A_812 = arith.constant 48 : i32
      %dma_start3A_813 = tpu.memref_slice %arg6[%add3A_783, %dma_start3A_812] : memref<819200x64xf32, #tpu.memory_space<hbm>> -> memref<400x16xf32, #tpu.memory_space<hbm>>
      %dma_start3A_814 = arith.constant 0 : i32
      %dma_start3A_815 = arith.constant 0 : i32
      %dma_start3A_816 = tpu.memref_slice %arg11[%dma_start3A_801, %dma_start3A_814, %dma_start3A_815] : memref<3x400x16xf32, #tpu.memory_space<vmem>> -> memref<1x400x16xf32, #tpu.memory_space<vmem>>
      %dma_start3A_817 = tpu.memref_squeeze %dma_start3A_816 : memref<1x400x16xf32, #tpu.memory_space<vmem>> -> memref<400x16xf32, #tpu.memory_space<vmem>>
      tpu.enqueue_dma source(%dma_start3A_817 : memref<400x16xf32, #tpu.memory_space<vmem>>) target(%dma_start3A_813 : memref<400x16xf32, #tpu.memory_space<hbm>>) target_semaphore(%dma_start3A_811 : memref<!tpu.dma_semaphore, #tpu.memory_space<semaphore_mem>>)
      %mul3A_818 = arith.constant 400 : i32
      %mul3A_819 = arith.muli %add3A_690, %mul3A_818 : i32
      %add3A_820 = arith.addi %mul3A_2, %mul3A_819 : i32
      %dma_wait3A_821 = arith.constant 2 : i32
      %dma_wait3A_822 = arith.constant 2 : i32
      %dma_wait3A_823 = arith.constant 0 : i32
      %dma_wait3A_824 = arith.constant 0 : i32
      %dma_wait3A_825 = arith.constant 0 : i32
      %dma_wait3A_826 = tpu.memref_slice %arg10[%dma_wait3A_821, %dma_wait3A_824, %dma_wait3A_825] : memref<3x400x48xf32, #tpu.memory_space<vmem>> -> memref<1x400x48xf32, #tpu.memory_space<vmem>>
      %dma_wait3A_827 = tpu.memref_squeeze %dma_wait3A_826 : memref<1x400x48xf32, #tpu.memory_space<vmem>> -> memref<400x48xf32, #tpu.memory_space<vmem>>
      %dma_wait3A_828 = arith.constant 0 : i32
      %dma_wait3A_829 = tpu.memref_slice %arg6[%add3A_820, %dma_wait3A_828] : memref<819200x64xf32, #tpu.memory_space<hbm>> -> memref<400x48xf32, #tpu.memory_space<hbm>>
      %dma_wait3A_830 = tpu.memref_slice %arg13[%dma_wait3A_822, %dma_wait3A_823] : memref<3x2x!tpu.dma_semaphore, #tpu.memory_space<semaphore_mem>> -> memref<1x1x!tpu.dma_semaphore, #tpu.memory_space<semaphore_mem>>
      %dma_wait3A_831 = tpu.memref_squeeze %dma_wait3A_830 : memref<1x1x!tpu.dma_semaphore, #tpu.memory_space<semaphore_mem>> -> memref<!tpu.dma_semaphore, #tpu.memory_space<semaphore_mem>>
      %dma_wait3A_832 = arith.constant 0 : i32
      %dma_wait3A_833 = tpu.memref_slice %arg6[%add3A_820, %dma_wait3A_832] : memref<819200x64xf32, #tpu.memory_space<hbm>> -> memref<400x48xf32, #tpu.memory_space<hbm>>
      %dma_wait3A_834 = arith.constant 0 : i32
      %dma_wait3A_835 = arith.constant 0 : i32
      %dma_wait3A_836 = tpu.memref_slice %arg10[%dma_wait3A_821, %dma_wait3A_834, %dma_wait3A_835] : memref<3x400x48xf32, #tpu.memory_space<vmem>> -> memref<1x400x48xf32, #tpu.memory_space<vmem>>
      %dma_wait3A_837 = tpu.memref_squeeze %dma_wait3A_836 : memref<1x400x48xf32, #tpu.memory_space<vmem>> -> memref<400x48xf32, #tpu.memory_space<vmem>>
      tpu.wait_dma2 semaphore(%dma_wait3A_831 : memref<!tpu.dma_semaphore, #tpu.memory_space<semaphore_mem>>) src(%dma_wait3A_837 : memref<400x48xf32, #tpu.memory_space<vmem>>) dst(%dma_wait3A_833 : memref<400x48xf32, #tpu.memory_space<hbm>>)
      %dma_wait3A_838 = arith.constant 2 : i32
      %dma_wait3A_839 = arith.constant 2 : i32
      %dma_wait3A_840 = arith.constant 1 : i32
      %dma_wait3A_841 = arith.constant 0 : i32
      %dma_wait3A_842 = arith.constant 0 : i32
      %dma_wait3A_843 = tpu.memref_slice %arg11[%dma_wait3A_838, %dma_wait3A_841, %dma_wait3A_842] : memref<3x400x16xf32, #tpu.memory_space<vmem>> -> memref<1x400x16xf32, #tpu.memory_space<vmem>>
      %dma_wait3A_844 = tpu.memref_squeeze %dma_wait3A_843 : memref<1x400x16xf32, #tpu.memory_space<vmem>> -> memref<400x16xf32, #tpu.memory_space<vmem>>
      %dma_wait3A_845 = arith.constant 48 : i32
      %dma_wait3A_846 = tpu.memref_slice %arg6[%add3A_820, %dma_wait3A_845] : memref<819200x64xf32, #tpu.memory_space<hbm>> -> memref<400x16xf32, #tpu.memory_space<hbm>>
      %dma_wait3A_847 = tpu.memref_slice %arg13[%dma_wait3A_839, %dma_wait3A_840] : memref<3x2x!tpu.dma_semaphore, #tpu.memory_space<semaphore_mem>> -> memref<1x1x!tpu.dma_semaphore, #tpu.memory_space<semaphore_mem>>
      %dma_wait3A_848 = tpu.memref_squeeze %dma_wait3A_847 : memref<1x1x!tpu.dma_semaphore, #tpu.memory_space<semaphore_mem>> -> memref<!tpu.dma_semaphore, #tpu.memory_space<semaphore_mem>>
      %dma_wait3A_849 = arith.constant 48 : i32
      %dma_wait3A_850 = tpu.memref_slice %arg6[%add3A_820, %dma_wait3A_849] : memref<819200x64xf32, #tpu.memory_space<hbm>> -> memref<400x16xf32, #tpu.memory_space<hbm>>
      %dma_wait3A_851 = arith.constant 0 : i32
      %dma_wait3A_852 = arith.constant 0 : i32
      %dma_wait3A_853 = tpu.memref_slice %arg11[%dma_wait3A_838, %dma_wait3A_851, %dma_wait3A_852] : memref<3x400x16xf32, #tpu.memory_space<vmem>> -> memref<1x400x16xf32, #tpu.memory_space<vmem>>
      %dma_wait3A_854 = tpu.memref_squeeze %dma_wait3A_853 : memref<1x400x16xf32, #tpu.memory_space<vmem>> -> memref<400x16xf32, #tpu.memory_space<vmem>>
      tpu.wait_dma2 semaphore(%dma_wait3A_848 : memref<!tpu.dma_semaphore, #tpu.memory_space<semaphore_mem>>) src(%dma_wait3A_854 : memref<400x16xf32, #tpu.memory_space<vmem>>) dst(%dma_wait3A_850 : memref<400x16xf32, #tpu.memory_space<hbm>>)
      %add3A_855 = arith.constant 3 : i32
      %add3A_856 = arith.addi %add3A_690, %add3A_855 : i32
      %lt3A_857 = arith.constant 64 : i32
      %lt3A_858 = arith.cmpi slt, %add3A_856, %lt3A_857 : i32
      %convert_element_type3A_859 = arith.extui %lt3A_858 : i1 to i32
      %cond3A_860 = arith.constant 0 : i32
      %cond3A_861 = arith.cmpi ne, %convert_element_type3A_859, %cond3A_860 : i32
      scf.if %cond3A_861 {
        %add3A_862 = arith.constant 3 : i32
        %add3A_863 = arith.addi %add3A_690, %add3A_862 : i32
        %mul3A_864 = arith.constant 400 : i32
        %mul3A_865 = arith.muli %add3A_863, %mul3A_864 : i32
        %add3A_866 = arith.constant 0 : i32
        %add3A_867 = arith.addi %mul3A_865, %add3A_866 : i32
        %dma_start3A_868 = arith.constant 2 : i32
        %dma_start3A_869 = arith.constant 2 : i32
        %dma_start3A_870 = arith.constant 0 : i32
        %dma_start3A_871 = arith.constant 0 : i32
        %dma_start3A_872 = arith.constant 0 : i32
        %dma_start3A_873 = tpu.memref_slice %arg10[%dma_start3A_868, %dma_start3A_871, %dma_start3A_872] : memref<3x400x48xf32, #tpu.memory_space<vmem>> -> memref<1x104x48xf32, #tpu.memory_space<vmem>>
        %dma_start3A_874 = tpu.memref_squeeze %dma_start3A_873 : memref<1x104x48xf32, #tpu.memory_space<vmem>> -> memref<104x48xf32, #tpu.memory_space<vmem>>
        %dma_start3A_875 = tpu.memref_slice %arg7[%add3A_867] : memref<25600xi32, #tpu.memory_space<vmem>> -> memref<104xi32, #tpu.memory_space<vmem>>
        %dma_start3A_876 = arith.constant 0 : i32
        %dma_start3A_877 = arith.constant 0 : i32
        %dma_start3A_878 = tpu.memref_slice %arg4[%dma_start3A_876, %dma_start3A_877] : memref<1000001x48xf32, #tpu.memory_space<hbm>> -> memref<1000001x48xf32, #tpu.memory_space<hbm>>
        %dma_start3A_879 = tpu.memref_slice %arg12[%dma_start3A_869, %dma_start3A_870] : memref<3x4x!tpu.dma_semaphore, #tpu.memory_space<semaphore_mem>> -> memref<1x1x!tpu.dma_semaphore, #tpu.memory_space<semaphore_mem>>
        %dma_start3A_880 = tpu.memref_squeeze %dma_start3A_879 : memref<1x1x!tpu.dma_semaphore, #tpu.memory_space<semaphore_mem>> -> memref<!tpu.dma_semaphore, #tpu.memory_space<semaphore_mem>>
        tpu.enqueue_indirect_dma source(%dma_start3A_878 : memref<1000001x48xf32, #tpu.memory_space<hbm>>) target(%dma_start3A_874 : memref<104x48xf32, #tpu.memory_space<vmem>>) offsets(%dma_start3A_875 : memref<104xi32, #tpu.memory_space<vmem>>) semaphore(%dma_start3A_880 : memref<!tpu.dma_semaphore, #tpu.memory_space<semaphore_mem>>)
        %add3A_881 = arith.constant 104 : i32
        %add3A_882 = arith.addi %mul3A_865, %add3A_881 : i32
        %dma_start3A_883 = arith.constant 2 : i32
        %dma_start3A_884 = arith.constant 2 : i32
        %dma_start3A_885 = arith.constant 1 : i32
        %dma_start3A_886 = arith.constant 104 : i32
        %dma_start3A_887 = arith.constant 0 : i32
        %dma_start3A_888 = tpu.memref_slice %arg10[%dma_start3A_883, %dma_start3A_886, %dma_start3A_887] : memref<3x400x48xf32, #tpu.memory_space<vmem>> -> memref<1x104x48xf32, #tpu.memory_space<vmem>>
        %dma_start3A_889 = tpu.memref_squeeze %dma_start3A_888 : memref<1x104x48xf32, #tpu.memory_space<vmem>> -> memref<104x48xf32, #tpu.memory_space<vmem>>
        %dma_start3A_890 = tpu.memref_slice %arg7[%add3A_882] : memref<25600xi32, #tpu.memory_space<vmem>> -> memref<104xi32, #tpu.memory_space<vmem>>
        %dma_start3A_891 = arith.constant 0 : i32
        %dma_start3A_892 = arith.constant 0 : i32
        %dma_start3A_893 = tpu.memref_slice %arg4[%dma_start3A_891, %dma_start3A_892] : memref<1000001x48xf32, #tpu.memory_space<hbm>> -> memref<1000001x48xf32, #tpu.memory_space<hbm>>
        %dma_start3A_894 = tpu.memref_slice %arg12[%dma_start3A_884, %dma_start3A_885] : memref<3x4x!tpu.dma_semaphore, #tpu.memory_space<semaphore_mem>> -> memref<1x1x!tpu.dma_semaphore, #tpu.memory_space<semaphore_mem>>
        %dma_start3A_895 = tpu.memref_squeeze %dma_start3A_894 : memref<1x1x!tpu.dma_semaphore, #tpu.memory_space<semaphore_mem>> -> memref<!tpu.dma_semaphore, #tpu.memory_space<semaphore_mem>>
        tpu.enqueue_indirect_dma source(%dma_start3A_893 : memref<1000001x48xf32, #tpu.memory_space<hbm>>) target(%dma_start3A_889 : memref<104x48xf32, #tpu.memory_space<vmem>>) offsets(%dma_start3A_890 : memref<104xi32, #tpu.memory_space<vmem>>) semaphore(%dma_start3A_895 : memref<!tpu.dma_semaphore, #tpu.memory_space<semaphore_mem>>)
        %add3A_896 = arith.constant 208 : i32
        %add3A_897 = arith.addi %mul3A_865, %add3A_896 : i32
        %dma_start3A_898 = arith.constant 2 : i32
        %dma_start3A_899 = arith.constant 2 : i32
        %dma_start3A_900 = arith.constant 2 : i32
        %dma_start3A_901 = arith.constant 208 : i32
        %dma_start3A_902 = arith.constant 0 : i32
        %dma_start3A_903 = tpu.memref_slice %arg10[%dma_start3A_898, %dma_start3A_901, %dma_start3A_902] : memref<3x400x48xf32, #tpu.memory_space<vmem>> -> memref<1x96x48xf32, #tpu.memory_space<vmem>>
        %dma_start3A_904 = tpu.memref_squeeze %dma_start3A_903 : memref<1x96x48xf32, #tpu.memory_space<vmem>> -> memref<96x48xf32, #tpu.memory_space<vmem>>
        %dma_start3A_905 = tpu.memref_slice %arg7[%add3A_897] : memref<25600xi32, #tpu.memory_space<vmem>> -> memref<96xi32, #tpu.memory_space<vmem>>
        %dma_start3A_906 = arith.constant 0 : i32
        %dma_start3A_907 = arith.constant 0 : i32
        %dma_start3A_908 = tpu.memref_slice %arg4[%dma_start3A_906, %dma_start3A_907] : memref<1000001x48xf32, #tpu.memory_space<hbm>> -> memref<1000001x48xf32, #tpu.memory_space<hbm>>
        %dma_start3A_909 = tpu.memref_slice %arg12[%dma_start3A_899, %dma_start3A_900] : memref<3x4x!tpu.dma_semaphore, #tpu.memory_space<semaphore_mem>> -> memref<1x1x!tpu.dma_semaphore, #tpu.memory_space<semaphore_mem>>
        %dma_start3A_910 = tpu.memref_squeeze %dma_start3A_909 : memref<1x1x!tpu.dma_semaphore, #tpu.memory_space<semaphore_mem>> -> memref<!tpu.dma_semaphore, #tpu.memory_space<semaphore_mem>>
        tpu.enqueue_indirect_dma source(%dma_start3A_908 : memref<1000001x48xf32, #tpu.memory_space<hbm>>) target(%dma_start3A_904 : memref<96x48xf32, #tpu.memory_space<vmem>>) offsets(%dma_start3A_905 : memref<96xi32, #tpu.memory_space<vmem>>) semaphore(%dma_start3A_910 : memref<!tpu.dma_semaphore, #tpu.memory_space<semaphore_mem>>)
        %add3A_911 = arith.constant 304 : i32
        %add3A_912 = arith.addi %mul3A_865, %add3A_911 : i32
        %dma_start3A_913 = arith.constant 2 : i32
        %dma_start3A_914 = arith.constant 2 : i32
        %dma_start3A_915 = arith.constant 3 : i32
        %dma_start3A_916 = arith.constant 304 : i32
        %dma_start3A_917 = arith.constant 0 : i32
        %dma_start3A_918 = tpu.memref_slice %arg10[%dma_start3A_913, %dma_start3A_916, %dma_start3A_917] : memref<3x400x48xf32, #tpu.memory_space<vmem>> -> memref<1x96x48xf32, #tpu.memory_space<vmem>>
        %dma_start3A_919 = tpu.memref_squeeze %dma_start3A_918 : memref<1x96x48xf32, #tpu.memory_space<vmem>> -> memref<96x48xf32, #tpu.memory_space<vmem>>
        %dma_start3A_920 = tpu.memref_slice %arg7[%add3A_912] : memref<25600xi32, #tpu.memory_space<vmem>> -> memref<96xi32, #tpu.memory_space<vmem>>
        %dma_start3A_921 = arith.constant 0 : i32
        %dma_start3A_922 = arith.constant 0 : i32
        %dma_start3A_923 = tpu.memref_slice %arg4[%dma_start3A_921, %dma_start3A_922] : memref<1000001x48xf32, #tpu.memory_space<hbm>> -> memref<1000001x48xf32, #tpu.memory_space<hbm>>
        %dma_start3A_924 = tpu.memref_slice %arg12[%dma_start3A_914, %dma_start3A_915] : memref<3x4x!tpu.dma_semaphore, #tpu.memory_space<semaphore_mem>> -> memref<1x1x!tpu.dma_semaphore, #tpu.memory_space<semaphore_mem>>
        %dma_start3A_925 = tpu.memref_squeeze %dma_start3A_924 : memref<1x1x!tpu.dma_semaphore, #tpu.memory_space<semaphore_mem>> -> memref<!tpu.dma_semaphore, #tpu.memory_space<semaphore_mem>>
        tpu.enqueue_indirect_dma source(%dma_start3A_923 : memref<1000001x48xf32, #tpu.memory_space<hbm>>) target(%dma_start3A_919 : memref<96x48xf32, #tpu.memory_space<vmem>>) offsets(%dma_start3A_920 : memref<96xi32, #tpu.memory_space<vmem>>) semaphore(%dma_start3A_925 : memref<!tpu.dma_semaphore, #tpu.memory_space<semaphore_mem>>)
      } else {
      }
    }
    %scan3A_189 = arith.constant 21 : i32
    %dma_wait3A_190 = arith.constant 0 : i32
    %dma_wait3A_191 = arith.constant 0 : i32
    %dma_wait3A_192 = arith.constant 0 : i32
    %dma_wait3A_193 = arith.constant 0 : i32
    %dma_wait3A_194 = arith.constant 0 : i32
    %dma_wait3A_195 = tpu.memref_slice %arg10[%dma_wait3A_190, %dma_wait3A_193, %dma_wait3A_194] : memref<3x400x48xf32, #tpu.memory_space<vmem>> -> memref<1x104x48xf32, #tpu.memory_space<vmem>>
    %dma_wait3A_196 = tpu.memref_squeeze %dma_wait3A_195 : memref<1x104x48xf32, #tpu.memory_space<vmem>> -> memref<104x48xf32, #tpu.memory_space<vmem>>
    %dma_wait3A_197 = arith.constant 25200 : i32
    %dma_wait3A_198 = tpu.memref_slice %arg7[%dma_wait3A_197] : memref<25600xi32, #tpu.memory_space<vmem>> -> memref<104xi32, #tpu.memory_space<vmem>>
    %dma_wait3A_199 = arith.constant 0 : i32
    %dma_wait3A_200 = arith.constant 0 : i32
    %dma_wait3A_201 = tpu.memref_slice %arg4[%dma_wait3A_199, %dma_wait3A_200] : memref<1000001x48xf32, #tpu.memory_space<hbm>> -> memref<1000001x48xf32, #tpu.memory_space<hbm>>
    %dma_wait3A_202 = tpu.memref_slice %arg12[%dma_wait3A_191, %dma_wait3A_192] : memref<3x4x!tpu.dma_semaphore, #tpu.memory_space<semaphore_mem>> -> memref<1x1x!tpu.dma_semaphore, #tpu.memory_space<semaphore_mem>>
    %dma_wait3A_203 = tpu.memref_squeeze %dma_wait3A_202 : memref<1x1x!tpu.dma_semaphore, #tpu.memory_space<semaphore_mem>> -> memref<!tpu.dma_semaphore, #tpu.memory_space<semaphore_mem>>
    tpu.wait_indirect_dma semaphore(%dma_wait3A_203 : memref<!tpu.dma_semaphore, #tpu.memory_space<semaphore_mem>>) src(%dma_wait3A_201 : memref<1000001x48xf32, #tpu.memory_space<hbm>>) dst(%dma_wait3A_196 : memref<104x48xf32, #tpu.memory_space<vmem>>)
    %dma_wait3A_204 = arith.constant 0 : i32
    %dma_wait3A_205 = arith.constant 0 : i32
    %dma_wait3A_206 = arith.constant 1 : i32
    %dma_wait3A_207 = arith.constant 104 : i32
    %dma_wait3A_208 = arith.constant 0 : i32
    %dma_wait3A_209 = tpu.memref_slice %arg10[%dma_wait3A_204, %dma_wait3A_207, %dma_wait3A_208] : memref<3x400x48xf32, #tpu.memory_space<vmem>> -> memref<1x104x48xf32, #tpu.memory_space<vmem>>
    %dma_wait3A_210 = tpu.memref_squeeze %dma_wait3A_209 : memref<1x104x48xf32, #tpu.memory_space<vmem>> -> memref<104x48xf32, #tpu.memory_space<vmem>>
    %dma_wait3A_211 = arith.constant 25304 : i32
    %dma_wait3A_212 = tpu.memref_slice %arg7[%dma_wait3A_211] : memref<25600xi32, #tpu.memory_space<vmem>> -> memref<104xi32, #tpu.memory_space<vmem>>
    %dma_wait3A_213 = arith.constant 0 : i32
    %dma_wait3A_214 = arith.constant 0 : i32
    %dma_wait3A_215 = tpu.memref_slice %arg4[%dma_wait3A_213, %dma_wait3A_214] : memref<1000001x48xf32, #tpu.memory_space<hbm>> -> memref<1000001x48xf32, #tpu.memory_space<hbm>>
    %dma_wait3A_216 = tpu.memref_slice %arg12[%dma_wait3A_205, %dma_wait3A_206] : memref<3x4x!tpu.dma_semaphore, #tpu.memory_space<semaphore_mem>> -> memref<1x1x!tpu.dma_semaphore, #tpu.memory_space<semaphore_mem>>
    %dma_wait3A_217 = tpu.memref_squeeze %dma_wait3A_216 : memref<1x1x!tpu.dma_semaphore, #tpu.memory_space<semaphore_mem>> -> memref<!tpu.dma_semaphore, #tpu.memory_space<semaphore_mem>>
    tpu.wait_indirect_dma semaphore(%dma_wait3A_217 : memref<!tpu.dma_semaphore, #tpu.memory_space<semaphore_mem>>) src(%dma_wait3A_215 : memref<1000001x48xf32, #tpu.memory_space<hbm>>) dst(%dma_wait3A_210 : memref<104x48xf32, #tpu.memory_space<vmem>>)
    %dma_wait3A_218 = arith.constant 0 : i32
    %dma_wait3A_219 = arith.constant 0 : i32
    %dma_wait3A_220 = arith.constant 2 : i32
    %dma_wait3A_221 = arith.constant 208 : i32
    %dma_wait3A_222 = arith.constant 0 : i32
    %dma_wait3A_223 = tpu.memref_slice %arg10[%dma_wait3A_218, %dma_wait3A_221, %dma_wait3A_222] : memref<3x400x48xf32, #tpu.memory_space<vmem>> -> memref<1x96x48xf32, #tpu.memory_space<vmem>>
    %dma_wait3A_224 = tpu.memref_squeeze %dma_wait3A_223 : memref<1x96x48xf32, #tpu.memory_space<vmem>> -> memref<96x48xf32, #tpu.memory_space<vmem>>
    %dma_wait3A_225 = arith.constant 25408 : i32
    %dma_wait3A_226 = tpu.memref_slice %arg7[%dma_wait3A_225] : memref<25600xi32, #tpu.memory_space<vmem>> -> memref<96xi32, #tpu.memory_space<vmem>>
    %dma_wait3A_227 = arith.constant 0 : i32
    %dma_wait3A_228 = arith.constant 0 : i32
    %dma_wait3A_229 = tpu.memref_slice %arg4[%dma_wait3A_227, %dma_wait3A_228] : memref<1000001x48xf32, #tpu.memory_space<hbm>> -> memref<1000001x48xf32, #tpu.memory_space<hbm>>
    %dma_wait3A_230 = tpu.memref_slice %arg12[%dma_wait3A_219, %dma_wait3A_220] : memref<3x4x!tpu.dma_semaphore, #tpu.memory_space<semaphore_mem>> -> memref<1x1x!tpu.dma_semaphore, #tpu.memory_space<semaphore_mem>>
    %dma_wait3A_231 = tpu.memref_squeeze %dma_wait3A_230 : memref<1x1x!tpu.dma_semaphore, #tpu.memory_space<semaphore_mem>> -> memref<!tpu.dma_semaphore, #tpu.memory_space<semaphore_mem>>
    tpu.wait_indirect_dma semaphore(%dma_wait3A_231 : memref<!tpu.dma_semaphore, #tpu.memory_space<semaphore_mem>>) src(%dma_wait3A_229 : memref<1000001x48xf32, #tpu.memory_space<hbm>>) dst(%dma_wait3A_224 : memref<96x48xf32, #tpu.memory_space<vmem>>)
    %dma_wait3A_232 = arith.constant 0 : i32
    %dma_wait3A_233 = arith.constant 0 : i32
    %dma_wait3A_234 = arith.constant 3 : i32
    %dma_wait3A_235 = arith.constant 304 : i32
    %dma_wait3A_236 = arith.constant 0 : i32
    %dma_wait3A_237 = tpu.memref_slice %arg10[%dma_wait3A_232, %dma_wait3A_235, %dma_wait3A_236] : memref<3x400x48xf32, #tpu.memory_space<vmem>> -> memref<1x96x48xf32, #tpu.memory_space<vmem>>
    %dma_wait3A_238 = tpu.memref_squeeze %dma_wait3A_237 : memref<1x96x48xf32, #tpu.memory_space<vmem>> -> memref<96x48xf32, #tpu.memory_space<vmem>>
    %dma_wait3A_239 = arith.constant 25504 : i32
    %dma_wait3A_240 = tpu.memref_slice %arg7[%dma_wait3A_239] : memref<25600xi32, #tpu.memory_space<vmem>> -> memref<96xi32, #tpu.memory_space<vmem>>
    %dma_wait3A_241 = arith.constant 0 : i32
    %dma_wait3A_242 = arith.constant 0 : i32
    %dma_wait3A_243 = tpu.memref_slice %arg4[%dma_wait3A_241, %dma_wait3A_242] : memref<1000001x48xf32, #tpu.memory_space<hbm>> -> memref<1000001x48xf32, #tpu.memory_space<hbm>>
    %dma_wait3A_244 = tpu.memref_slice %arg12[%dma_wait3A_233, %dma_wait3A_234] : memref<3x4x!tpu.dma_semaphore, #tpu.memory_space<semaphore_mem>> -> memref<1x1x!tpu.dma_semaphore, #tpu.memory_space<semaphore_mem>>
    %dma_wait3A_245 = tpu.memref_squeeze %dma_wait3A_244 : memref<1x1x!tpu.dma_semaphore, #tpu.memory_space<semaphore_mem>> -> memref<!tpu.dma_semaphore, #tpu.memory_space<semaphore_mem>>
    tpu.wait_indirect_dma semaphore(%dma_wait3A_245 : memref<!tpu.dma_semaphore, #tpu.memory_space<semaphore_mem>>) src(%dma_wait3A_243 : memref<1000001x48xf32, #tpu.memory_space<hbm>>) dst(%dma_wait3A_238 : memref<96x48xf32, #tpu.memory_space<vmem>>)
    %get3A = arith.constant 126 : i32
    %get3A_246 = arith.index_cast %get3A : i32 to index
    %get3A_247 = arith.constant 0 : index
    %get3A_248 = tpu.vector_load %arg9[%get3A_246, %get3A_247] {strides = array<i32>} : memref<128x16xf32, #tpu.memory_space<vmem>>, vector<1x16xf32>,
    %get3A_249 = vector.shape_cast %get3A_248 : vector<1x16xf32> to vector<16xf32>
    %scan3A_250 = arith.constant 0 : i32
    %scan3A_251 = arith.constant 0 : i32
    %scan3A_252 = arith.constant 200 : i32
    %scan3A_253 = arith.addi %scan3A_251, %scan3A_252 : i32
    %scan3A_254 = arith.constant 1 : i32
    scf.for %scan3A_339 = %scan3A_251 to %scan3A_253 step %scan3A_254  : i32 {
      %add3A_340 = arith.constant 0 : i32
      %add3A_341 = arith.addi %add3A_340, %scan3A_339 : i32
      %swap3A = arith.constant 0 : i32
      %swap3A_342 = arith.index_cast %swap3A : i32 to index
      %swap3A_343 = arith.index_cast %add3A_341 : i32 to index
      %swap3A_344 = arith.constant 0 : index
      %swap3A_345 = tpu.vector_load %arg11[%swap3A_342, %swap3A_343, %swap3A_344] {strides = array<i32>} : memref<3x400x16xf32, #tpu.memory_space<vmem>>, vector<1x1x16xf32>,
      %swap3A_346 = vector.shape_cast %swap3A_345 : vector<1x1x16xf32> to vector<16xf32>
      %swap3A_347 = vector.shape_cast %get3A_249 : vector<16xf32> to vector<1x1x16xf32>
      tpu.vector_store %arg11[%swap3A_342, %swap3A_343, %swap3A_344], %swap3A_347 {strides = array<i32>} : memref<3x400x16xf32, #tpu.memory_space<vmem>>, vector<1x1x16xf32>,
    }
    %scan3A_255 = arith.constant 200 : i32
    %get3A_256 = arith.constant 127 : i32
    %get3A_257 = arith.index_cast %get3A_256 : i32 to index
    %get3A_258 = arith.constant 0 : index
    %get3A_259 = tpu.vector_load %arg9[%get3A_257, %get3A_258] {strides = array<i32>} : memref<128x16xf32, #tpu.memory_space<vmem>>, vector<1x16xf32>,
    %get3A_260 = vector.shape_cast %get3A_259 : vector<1x16xf32> to vector<16xf32>
    %scan3A_261 = arith.constant 0 : i32
    %scan3A_262 = arith.constant 0 : i32
    %scan3A_263 = arith.constant 200 : i32
    %scan3A_264 = arith.addi %scan3A_262, %scan3A_263 : i32
    %scan3A_265 = arith.constant 1 : i32
    scf.for %scan3A_339 = %scan3A_262 to %scan3A_264 step %scan3A_265  : i32 {
      %add3A_340 = arith.constant 200 : i32
      %add3A_341 = arith.addi %add3A_340, %scan3A_339 : i32
      %swap3A = arith.constant 0 : i32
      %swap3A_342 = arith.index_cast %swap3A : i32 to index
      %swap3A_343 = arith.index_cast %add3A_341 : i32 to index
      %swap3A_344 = arith.constant 0 : index
      %swap3A_345 = tpu.vector_load %arg11[%swap3A_342, %swap3A_343, %swap3A_344] {strides = array<i32>} : memref<3x400x16xf32, #tpu.memory_space<vmem>>, vector<1x1x16xf32>,
      %swap3A_346 = vector.shape_cast %swap3A_345 : vector<1x1x16xf32> to vector<16xf32>
      %swap3A_347 = vector.shape_cast %get3A_260 : vector<16xf32> to vector<1x1x16xf32>
      tpu.vector_store %arg11[%swap3A_342, %swap3A_343, %swap3A_344], %swap3A_347 {strides = array<i32>} : memref<3x400x16xf32, #tpu.memory_space<vmem>>, vector<1x1x16xf32>,
    }
    %scan3A_266 = arith.constant 200 : i32
    %add3A_267 = arith.constant 25200 : i32
    %add3A_268 = arith.addi %mul3A_2, %add3A_267 : i32
    %dma_start3A_269 = arith.constant 0 : i32
    %dma_start3A_270 = arith.constant 0 : i32
    %dma_start3A_271 = arith.constant 0 : i32
    %dma_start3A_272 = arith.constant 0 : i32
    %dma_start3A_273 = arith.constant 0 : i32
    %dma_start3A_274 = tpu.memref_slice %arg10[%dma_start3A_269, %dma_start3A_272, %dma_start3A_273] : memref<3x400x48xf32, #tpu.memory_space<vmem>> -> memref<1x400x48xf32, #tpu.memory_space<vmem>>
    %dma_start3A_275 = tpu.memref_squeeze %dma_start3A_274 : memref<1x400x48xf32, #tpu.memory_space<vmem>> -> memref<400x48xf32, #tpu.memory_space<vmem>>
    %dma_start3A_276 = arith.constant 0 : i32
    %dma_start3A_277 = tpu.memref_slice %arg6[%add3A_268, %dma_start3A_276] : memref<819200x64xf32, #tpu.memory_space<hbm>> -> memref<400x48xf32, #tpu.memory_space<hbm>>
    %dma_start3A_278 = tpu.memref_slice %arg13[%dma_start3A_270, %dma_start3A_271] : memref<3x2x!tpu.dma_semaphore, #tpu.memory_space<semaphore_mem>> -> memref<1x1x!tpu.dma_semaphore, #tpu.memory_space<semaphore_mem>>
    %dma_start3A_279 = tpu.memref_squeeze %dma_start3A_278 : memref<1x1x!tpu.dma_semaphore, #tpu.memory_space<semaphore_mem>> -> memref<!tpu.dma_semaphore, #tpu.memory_space<semaphore_mem>>
    %dma_start3A_280 = arith.constant 0 : i32
    %dma_start3A_281 = tpu.memref_slice %arg6[%add3A_268, %dma_start3A_280] : memref<819200x64xf32, #tpu.memory_space<hbm>> -> memref<400x48xf32, #tpu.memory_space<hbm>>
    %dma_start3A_282 = arith.constant 0 : i32
    %dma_start3A_283 = arith.constant 0 : i32
    %dma_start3A_284 = tpu.memref_slice %arg10[%dma_start3A_269, %dma_start3A_282, %dma_start3A_283] : memref<3x400x48xf32, #tpu.memory_space<vmem>> -> memref<1x400x48xf32, #tpu.memory_space<vmem>>
    %dma_start3A_285 = tpu.memref_squeeze %dma_start3A_284 : memref<1x400x48xf32, #tpu.memory_space<vmem>> -> memref<400x48xf32, #tpu.memory_space<vmem>>
    tpu.enqueue_dma source(%dma_start3A_285 : memref<400x48xf32, #tpu.memory_space<vmem>>) target(%dma_start3A_281 : memref<400x48xf32, #tpu.memory_space<hbm>>) target_semaphore(%dma_start3A_279 : memref<!tpu.dma_semaphore, #tpu.memory_space<semaphore_mem>>)
    %dma_start3A_286 = arith.constant 0 : i32
    %dma_start3A_287 = arith.constant 0 : i32
    %dma_start3A_288 = arith.constant 1 : i32
    %dma_start3A_289 = arith.constant 0 : i32
    %dma_start3A_290 = arith.constant 0 : i32
    %dma_start3A_291 = tpu.memref_slice %arg11[%dma_start3A_286, %dma_start3A_289, %dma_start3A_290] : memref<3x400x16xf32, #tpu.memory_space<vmem>> -> memref<1x400x16xf32, #tpu.memory_space<vmem>>
    %dma_start3A_292 = tpu.memref_squeeze %dma_start3A_291 : memref<1x400x16xf32, #tpu.memory_space<vmem>> -> memref<400x16xf32, #tpu.memory_space<vmem>>
    %dma_start3A_293 = arith.constant 48 : i32
    %dma_start3A_294 = tpu.memref_slice %arg6[%add3A_268, %dma_start3A_293] : memref<819200x64xf32, #tpu.memory_space<hbm>> -> memref<400x16xf32, #tpu.memory_space<hbm>>
    %dma_start3A_295 = tpu.memref_slice %arg13[%dma_start3A_287, %dma_start3A_288] : memref<3x2x!tpu.dma_semaphore, #tpu.memory_space<semaphore_mem>> -> memref<1x1x!tpu.dma_semaphore, #tpu.memory_space<semaphore_mem>>
    %dma_start3A_296 = tpu.memref_squeeze %dma_start3A_295 : memref<1x1x!tpu.dma_semaphore, #tpu.memory_space<semaphore_mem>> -> memref<!tpu.dma_semaphore, #tpu.memory_space<semaphore_mem>>
    %dma_start3A_297 = arith.constant 48 : i32
    %dma_start3A_298 = tpu.memref_slice %arg6[%add3A_268, %dma_start3A_297] : memref<819200x64xf32, #tpu.memory_space<hbm>> -> memref<400x16xf32, #tpu.memory_space<hbm>>
    %dma_start3A_299 = arith.constant 0 : i32
    %dma_start3A_300 = arith.constant 0 : i32
    %dma_start3A_301 = tpu.memref_slice %arg11[%dma_start3A_286, %dma_start3A_299, %dma_start3A_300] : memref<3x400x16xf32, #tpu.memory_space<vmem>> -> memref<1x400x16xf32, #tpu.memory_space<vmem>>
    %dma_start3A_302 = tpu.memref_squeeze %dma_start3A_301 : memref<1x400x16xf32, #tpu.memory_space<vmem>> -> memref<400x16xf32, #tpu.memory_space<vmem>>
    tpu.enqueue_dma source(%dma_start3A_302 : memref<400x16xf32, #tpu.memory_space<vmem>>) target(%dma_start3A_298 : memref<400x16xf32, #tpu.memory_space<hbm>>) target_semaphore(%dma_start3A_296 : memref<!tpu.dma_semaphore, #tpu.memory_space<semaphore_mem>>)
    %add3A_303 = arith.constant 25200 : i32
    %add3A_304 = arith.addi %mul3A_2, %add3A_303 : i32
    %dma_wait3A_305 = arith.constant 0 : i32
    %dma_wait3A_306 = arith.constant 0 : i32
    %dma_wait3A_307 = arith.constant 0 : i32
    %dma_wait3A_308 = arith.constant 0 : i32
    %dma_wait3A_309 = arith.constant 0 : i32
    %dma_wait3A_310 = tpu.memref_slice %arg10[%dma_wait3A_305, %dma_wait3A_308, %dma_wait3A_309] : memref<3x400x48xf32, #tpu.memory_space<vmem>> -> memref<1x400x48xf32, #tpu.memory_space<vmem>>
    %dma_wait3A_311 = tpu.memref_squeeze %dma_wait3A_310 : memref<1x400x48xf32, #tpu.memory_space<vmem>> -> memref<400x48xf32, #tpu.memory_space<vmem>>
    %dma_wait3A_312 = arith.constant 0 : i32
    %dma_wait3A_313 = tpu.memref_slice %arg6[%add3A_304, %dma_wait3A_312] : memref<819200x64xf32, #tpu.memory_space<hbm>> -> memref<400x48xf32, #tpu.memory_space<hbm>>
    %dma_wait3A_314 = tpu.memref_slice %arg13[%dma_wait3A_306, %dma_wait3A_307] : memref<3x2x!tpu.dma_semaphore, #tpu.memory_space<semaphore_mem>> -> memref<1x1x!tpu.dma_semaphore, #tpu.memory_space<semaphore_mem>>
    %dma_wait3A_315 = tpu.memref_squeeze %dma_wait3A_314 : memref<1x1x!tpu.dma_semaphore, #tpu.memory_space<semaphore_mem>> -> memref<!tpu.dma_semaphore, #tpu.memory_space<semaphore_mem>>
    %dma_wait3A_316 = arith.constant 0 : i32
    %dma_wait3A_317 = tpu.memref_slice %arg6[%add3A_304, %dma_wait3A_316] : memref<819200x64xf32, #tpu.memory_space<hbm>> -> memref<400x48xf32, #tpu.memory_space<hbm>>
    %dma_wait3A_318 = arith.constant 0 : i32
    %dma_wait3A_319 = arith.constant 0 : i32
    %dma_wait3A_320 = tpu.memref_slice %arg10[%dma_wait3A_305, %dma_wait3A_318, %dma_wait3A_319] : memref<3x400x48xf32, #tpu.memory_space<vmem>> -> memref<1x400x48xf32, #tpu.memory_space<vmem>>
    %dma_wait3A_321 = tpu.memref_squeeze %dma_wait3A_320 : memref<1x400x48xf32, #tpu.memory_space<vmem>> -> memref<400x48xf32, #tpu.memory_space<vmem>>
    tpu.wait_dma2 semaphore(%dma_wait3A_315 : memref<!tpu.dma_semaphore, #tpu.memory_space<semaphore_mem>>) src(%dma_wait3A_321 : memref<400x48xf32, #tpu.memory_space<vmem>>) dst(%dma_wait3A_317 : memref<400x48xf32, #tpu.memory_space<hbm>>)
    %dma_wait3A_322 = arith.constant 0 : i32
    %dma_wait3A_323 = arith.constant 0 : i32
    %dma_wait3A_324 = arith.constant 1 : i32
    %dma_wait3A_325 = arith.constant 0 : i32
    %dma_wait3A_326 = arith.constant 0 : i32
    %dma_wait3A_327 = tpu.memref_slice %arg11[%dma_wait3A_322, %dma_wait3A_325, %dma_wait3A_326] : memref<3x400x16xf32, #tpu.memory_space<vmem>> -> memref<1x400x16xf32, #tpu.memory_space<vmem>>
    %dma_wait3A_328 = tpu.memref_squeeze %dma_wait3A_327 : memref<1x400x16xf32, #tpu.memory_space<vmem>> -> memref<400x16xf32, #tpu.memory_space<vmem>>
    %dma_wait3A_329 = arith.constant 48 : i32
    %dma_wait3A_330 = tpu.memref_slice %arg6[%add3A_304, %dma_wait3A_329] : memref<819200x64xf32, #tpu.memory_space<hbm>> -> memref<400x16xf32, #tpu.memory_space<hbm>>
    %dma_wait3A_331 = tpu.memref_slice %arg13[%dma_wait3A_323, %dma_wait3A_324] : memref<3x2x!tpu.dma_semaphore, #tpu.memory_space<semaphore_mem>> -> memref<1x1x!tpu.dma_semaphore, #tpu.memory_space<semaphore_mem>>
    %dma_wait3A_332 = tpu.memref_squeeze %dma_wait3A_331 : memref<1x1x!tpu.dma_semaphore, #tpu.memory_space<semaphore_mem>> -> memref<!tpu.dma_semaphore, #tpu.memory_space<semaphore_mem>>
    %dma_wait3A_333 = arith.constant 48 : i32
    %dma_wait3A_334 = tpu.memref_slice %arg6[%add3A_304, %dma_wait3A_333] : memref<819200x64xf32, #tpu.memory_space<hbm>> -> memref<400x16xf32, #tpu.memory_space<hbm>>
    %dma_wait3A_335 = arith.constant 0 : i32
    %dma_wait3A_336 = arith.constant 0 : i32
    %dma_wait3A_337 = tpu.memref_slice %arg11[%dma_wait3A_322, %dma_wait3A_335, %dma_wait3A_336] : memref<3x400x16xf32, #tpu.memory_space<vmem>> -> memref<1x400x16xf32, #tpu.memory_space<vmem>>
    %dma_wait3A_338 = tpu.memref_squeeze %dma_wait3A_337 : memref<1x400x16xf32, #tpu.memory_space<vmem>> -> memref<400x16xf32, #tpu.memory_space<vmem>>
    tpu.wait_dma2 semaphore(%dma_wait3A_332 : memref<!tpu.dma_semaphore, #tpu.memory_space<semaphore_mem>>) src(%dma_wait3A_338 : memref<400x16xf32, #tpu.memory_space<vmem>>) dst(%dma_wait3A_334 : memref<400x16xf32, #tpu.memory_space<hbm>>)
    return
  }
}

</mosaic_0001>

<sc_bundles>
// kernel: _sc_embed.3.cloned.1.call-start
scs
__scs_entry_jumppad:
0x0: {  	(pc) =	sbr.rel $0x88, $3  }
0x1: {  	(tag) =	ssettag $0x0;
	lr =	simm.s32 $0x1  }
0x2: {  	[smem:$0x3F9D] =	sst lr;
	_ =	strace $0xD0000000  }
0x3: {  	_ = 	snop  }
0x4: {  	_ = 	snop  }
0x5: {  	_ = 	snop  }
0x6: {  	_ = 	snop  }
0x7: {  	_ = 	snop  }
__scs_overlays_trampoline_lowered:
0x8: {  	[smem:$0x3FAC] =	sst s0  }
0x9: {  	[smem:$0x3FAD] =	sst s1  }
0xa: {  	[smem:$0x3FAE] =	sst s2  }
0xb: {  	[smem:$0x3FAF] =	sst s3  }
0xc: {  	[smem:$0x3FB0] =	sst s4  }
0xd: {  	[smem:$0x3FB1] =	sst s5  }
0xe: {  	[smem:$0x3FB2] =	sst s6  }
0xf: {  	[smem:$0x3FB3] =	sst s7  }
0x10: {  	[smem:$0x3FB4] =	sst s8  }
0x11: {  	[smem:$0x3FB5] =	sst s9;
	s0 =	simm.s32 @!p0 $0x0  }
0x12: {  	s1 =	sld [smem:$0x3F9B];
	s0 =	simm.s32 @p0 $0x1  }
0x13: {  	[smem:$0x3FB6] =	sst s0;
	s0 =	simm.s32 @!p1 $0x0  }
0x14: {  	s2 =	sld [smem:$0x3F9A];
	s0 =	simm.s32 @p1 $0x1  }
0x15: {  	[smem:$0x3FB7] =	sst s0;
	s0 =	simm.s32 @!p2 $0x0  }
0x16: {  	s3 =	sld [smem:$0x3FDB];
	s0 =	simm.s32 @p2 $0x1  }
0x17: {  	s4 =	simm.s32 $0x1BF5;
	[smem:$0x3FB9] =	sst s0  }
0x18: {  	s0 =	sld [smem:$0x3F9C];
	_ =	swait.ge [sflag:s4], $0x0  }
0x19: {  	s7 =	sld [smem:$0x3F9D]  }
0x1a: {  	s8 =	sadd.s32 $0xFFFFE003, lr  }
0x1b: {  	s9 =	sadd.s32 $0xFFFFFEF7, lr;
	s5 =	simm.s32 $0xFFFFFFFF;
	p2 =	slt.u32 s8, $0xFFFFF086  }
0x1c: {  	p1 =	slt.u32 s9, $0xF7A;
	s5 =	simm.s32 @!p2 $0x0  }
0x1d: {  	s5 =	simm.s32 @p1 $0x1;
	p0 =	seq.s32 s7, s2  }
0x1e: {  	s7 =	smul.u32 @!p0 $0xF7A, s2;
	p2 =	seq.s32 @!p0 s5, $0x0  }
0x1f: {  	s9 =	smul.u32 $0xF7A, s1;
	s8 =	simm.s32 @!p0 $0x1BF5;
	p2 =	por !p2, p0  }
0x20: {  	[sflag:s8] =	ssyncset.s32 @!p0 $0xFFFFF086;
	s6 =	sadd.s32 @!p0 s3, s7;
	s7 =	simm.s32 @!p0 $0x108  }
0x21: {  	s3 =	sadd.s32 s3, s9;
	s6 =	sadd.s32 @!p0 $0x88, s6;
	s7 =	simm.s32 @p2 $0x1082  }
0x22: {  	[simem:s7], [sflag:s8] =	dma.local @!p0 [hbm:s6], $0xF7A  }
0x23: {  	s9 =	sor.u32 $0xD0000000, s2;
	s6 =	simm.s32 $0x108;
	_ =	swait.ge @!p0 [sflag:s8], $0x0  }
0x24: {  	s3 =	sadd.s32 $0x88, s3;
	s6 =	simm.s32 @!p1 $0x1082;
	[sflag:s4] =	ssyncset.s32 $0xFFFFF086  }
0x25: {  	[simem:s6], [sflag:s4] =	dma.local [hbm:s3], $0xF7A  }
0x26: {  	[smem:$0x3F9D] =	sst s1;
	(tag) =	ssettag s2;
	_ =	strace s9  }
0x27: {  	s1 =	sld [smem:$0x3FAD]  }
0x28: {  	s2 =	sld [smem:$0x3FAE]  }
0x29: {  	s4 =	sld [smem:$0x3FB0]  }
0x2a: {  	p0 =	seq.s32 s5, $0x0;
	s5 =	sld [smem:$0x3FB1]  }
0x2b: {  	s6 =	sld [smem:$0x3FB2]  }
0x2c: {  	s7 =	sld [smem:$0x3FB3]  }
0x2d: {  	s3 =	simm.s32 $0x108;
	s8 =	sld [smem:$0x3FB4]  }
0x2e: {  	s3 =	simm.s32 @!p0 $0x1082;
	s9 =	sld [smem:$0x3FB5]  }
0x2f: {  	lr =	sadd.s32 s0, s3;
	s0 =	sld [smem:$0x3FAC]  }
0x30: {  	s3 =	sld [smem:$0x3FAF]  }
0x31: {  	[smem:$0x3FB8] =	sst s10  }
0x32: {  	s10 =	sld [smem:$0x3FB6];
	_ =	sdelay $0x3  }
0x33: {  	p0 =	seq.s32 s10, $0x1;
	s10 =	sld [smem:$0x3FB8];
	_ =	sdelay $0x3  }
0x34: {  	[smem:$0x3FB8] =	sst s10  }
0x35: {  	s10 =	sld [smem:$0x3FB7];
	_ =	sdelay $0x3  }
0x36: {  	p1 =	seq.s32 s10, $0x1;
	s10 =	sld [smem:$0x3FB8];
	_ =	sdelay $0x3  }
0x37: {  	[smem:$0x3FB8] =	sst s10  }
0x38: {  	s10 =	sld [smem:$0x3FB9]  }
0x39: {  	_ = 	snop;
	(pc) =	sbr.ind lr, $3  }
0x3a: {  	_ = 	snop  }
0x3b: {  	_ = 	snop  }
0x3c: {  	p2 =	seq.s32 s10, $0x1;
	s10 =	sld [smem:$0x3FB8]  }
0x3d: {  	_ =	shalt  }
0x3e: {  	_ =	shalt  }
0x3f: {  	_ =	shalt  }
0x40: {  	_ =	shalt  }
0x41: {  	_ =	shalt  }
0x42: {  	_ =	shalt  }
0x43: {  	_ =	shalt  }
0x44: {  	_ =	shalt  }
0x45: {  	_ =	shalt  }
0x46: {  	_ =	shalt  }
0x47: {  	_ =	shalt  }
0x48: {  	_ =	shalt  }
0x49: {  	_ =	shalt  }
0x4a: {  	_ =	shalt  }
0x4b: {  	_ =	shalt  }
0x4c: {  	_ =	shalt  }
0x4d: {  	_ =	shalt  }
0x4e: {  	_ =	shalt  }
0x4f: {  	_ =	shalt  }
0x50: {  	_ =	shalt  }
0x51: {  	_ =	shalt  }
0x52: {  	_ =	shalt  }
0x53: {  	_ =	shalt  }
0x54: {  	_ =	shalt  }
0x55: {  	_ =	shalt  }
0x56: {  	_ =	shalt  }
0x57: {  	_ =	shalt  }
0x58: {  	_ =	shalt  }
0x59: {  	_ =	shalt  }
0x5a: {  	_ =	shalt  }
0x5b: {  	_ =	shalt  }
0x5c: {  	_ =	shalt  }
0x5d: {  	_ =	shalt  }
0x5e: {  	_ =	shalt  }
0x5f: {  	_ =	shalt  }
0x60: {  	_ =	shalt  }
0x61: {  	_ =	shalt  }
0x62: {  	_ =	shalt  }
0x63: {  	_ =	shalt  }
0x64: {  	_ =	shalt  }
0x65: {  	_ =	shalt  }
0x66: {  	_ =	shalt  }
0x67: {  	_ =	shalt  }
0x68: {  	_ =	shalt  }
0x69: {  	_ =	shalt  }
0x6a: {  	_ =	shalt  }
0x6b: {  	_ =	shalt  }
0x6c: {  	_ =	shalt  }
0x6d: {  	_ =	shalt  }
0x6e: {  	_ =	shalt  }
0x6f: {  	_ =	shalt  }
0x70: {  	_ =	shalt  }
0x71: {  	_ =	shalt  }
0x72: {  	_ =	shalt  }
0x73: {  	_ =	shalt  }
0x74: {  	_ =	shalt  }
0x75: {  	_ =	shalt  }
0x76: {  	_ =	shalt  }
0x77: {  	_ =	shalt  }
0x78: {  	_ =	shalt  }
0x79: {  	_ =	shalt  }
0x7a: {  	_ =	shalt  }
0x7b: {  	_ =	shalt  }
0x7c: {  	_ =	shalt  }
0x7d: {  	_ =	shalt  }
0x7e: {  	_ =	shalt  }
0x7f: {  	_ =	shalt  }
0x80: {  	_ =	shalt  }
0x81: {  	_ =	shalt  }
0x82: {  	_ =	shalt  }
0x83: {  	_ =	shalt  }
0x84: {  	_ =	shalt  }
0x85: {  	_ =	shalt  }
0x86: {  	_ =	shalt  }
0x87: {  	_ =	shalt  }
.Lfunc_end0:
.L_simem_size_0:
called_computation.1_lowered:
.L_overlay_start_0:
0x88: {  	s2 =	sld [smem:$0x3FD9]  }
0x89: {  	s3 =	sld [smem:$0x3FFE];
	_ =	sdelay $0x1  }
0x8a: {  	s1 =	srdreg.scid  }
0x8b: {  	s0 =	sand.u32 $0x1, s1  }
0x8c: {  	s17 =	sshll.u32 s0, $0xA;
	s2 =	sadd.s32 s3, s2  }
0x8d: {  	s2 =	sadd.s32 s2, s17  }
0x8e: {  	[smem:$0x3FC4] =	sst s2  }
0x8f: {  	_ = 	snop  }
0x90: {  	s2 =	sld [smem:$0x3FC9]  }
0x91: {  	s18 =	sld [smem:$0x3FC8]  }
0x92: {  	s4 =	sld [smem:$0x3FD0];
	(tm) =	ssettm $0x1  }
0x93: {  	s5 =	sld [smem:$0x3FFB];
	_ =	sdelay $0x3  }
0x94: {  	_ =	strace s5  }
0x95: {  	s5 =	sld [smem:$0x3FFC];
	_ =	sdelay $0x3  }
0x96: {  	_ =	strace s5  }
0x97: {  	s5 =	sld [smem:$0x3FFD];
	_ =	sdelay $0x3  }
0x98: {  	_ =	strace s5  }
0x99: {  	_ =	strace $0x8FFFFFFF  }
0x9a: {  	s19 =	sld [smem:$0x3FDB];
	_ =	sdelay $0x1  }
0x9b: {  	s6 =	simm.s32 $_scs_section_size  }
0x9c: {  	s7 =	simm.s32 $_size__tile_overlayer_lowered;
	s8 =	simm.s32 $_tile_overlayer_lowered  }
0x9d: {  	s22 =	simm.s32 $0x1BFF;
	s21 =	sshll.u32 s8, $0x1;
	s5 =	sadd.s32 s6, s19  }
0x9e: {  	s9 =	simm.s32 $0x0;
	s20 =	sshll.u32 s7, $0x1;
	s7 =	sadd.s32 s21, s5  }
0x9f: {  	[timem:s9], [sflag:s22] =	dma.local [hbm:s7], s20  }
0xa0: {  	_ =	swait.ge [sflag:s22], s20  }
0xa1: {  	s6 =	ssub.s32 $0x0, s20;
	[sflag:s22] =	ssyncset.done $0x0  }
0xa2: {  	[sflag:s22] =	ssyncadd.s32 s6;
	_ =	sdelay $0x1  }
0xa3: {  	s23 =	simm.s32 $0x1B8B  }
0xa4: {  	_ =	swait.ge [sflag:s23], $0x1  }
0xa5: {  	[sflag:s23] =	ssyncset.done $0x0  }
0xa6: {  	s25 =	simm.s32 $0x1B8E;
	s24 =	sld [smem:$0x3FFE];
	[sflag:s23] =	ssyncadd.s32 $0xFFFFFFFF  }
0xa7: {  	s26 =	simm.s32 $execute0_lowered;
	[smem:$0x3FD2] =	sst s25  }
0xa8: {  	s7 =	sshll.u32 s26, $0x1;
	_ =	strace $0x80000046;
	[dreg:$0x1] =	wrdreg $0xFFFFFFFF  }
0xa9: {  	s28 =	simm.s32 $_size_execute0_lowered;
	s5 =	sadd.s32 s5, s7;
	[dreg:$0x0] =	wrdreg $0x0  }
0xaa: {  	s7 =	sshll.u32 s28, $0x1;
	[dreg:$0x2] =	wrdreg s5  }
0xab: {  	[dreg:$0x3] =	wrdreg s7  }
0xac: {  	[dreg:$0x4] =	wrdreg $0xC0  }
0xad: {  	_ =	task [dreg:s9], $0x5FFFF  }
0xae: {  	[dreg:$0x1] =	wrdreg $0xFFFFFFFF  }
0xaf: {  	[dreg:$0x0] =	wrdreg $0x60  }
0xb0: {  	[dreg:$0x2] =	wrdreg s2  }
0xb1: {  	[dreg:$0x3] =	wrdreg s18  }
0xb2: {  	[dreg:$0x4] =	wrdreg s24  }
0xb3: {  	[dreg:$0x5] =	wrdreg s4  }
0xb4: {  	[dreg:$0x6] =	wrdreg $0x9  }
0xb5: {  	_ =	task.clear_ibuf [dreg:s9], $0x7FFFF;
	_ =	strace $0x90000046  }
0xb6: {  	s29 =	simm.s32 $0x9;
	_ =	strace $0x80000048  }
0xb7: {  	_ =	swait.ge [sflag:s29], $0x1  }
0xb8: {  	[sflag:s29] =	ssyncadd.s32 $0xFFFFFFFF  }
0xb9: {  	_ =	strace $0x90000048  }
0xba: {  	_ =	sfence  }
0xbb: {  	s30 =	sld [smem:$0x0];
	_ =	sdelay $0x2  }
0xbc: {  	s31 =	sshll.u32 s1, $0xD;
	s1 =	sshrl.u32 s1, $0x2  }
0xbd: {  	s3 =	sand.u32 $0x4000, s31;
	s1 =	sadd.s32 s1, s30  }
0xbe: {  	s0 =	sor.u32 s3, s0;
	s1 =	sshll.u32 s1, $0x11  }
0xbf: {  	s0 =	sor.u32 s1, s0  }
0xc0: {  	s0 =	sadd.s32 $0x8F2B, s0  }
0xc1: {  	[sflag:s0] =	ssyncadd.remote.s32 $0x1  }
0xc2: {  	_ =	sfence.sel $0xFFFF  }
0xc3: {  	[dreg:$0x0] =	wrdreg $0xFFFFFFFF;
	(pc) =	sbr.abs _section_cstart, $3  }
0xc4: {  	[dreg:$0x1] =	wrdreg $0xFFFFFFFF  }
0xc5: {  	_ =	task.clear_ibuf [dreg:s9], $0x2FFFF;
	_ =	strace $0x9FFFFFFF  }
0xc6: {  	(tm) =	ssettm $0x7FFFFFFF  }
0xc7: {  	_ =	shalt  }
tec
execute0_lowered:
.L_overlay_start_1:
0x0: {  	(tag) =	ssettag $0x1  }
0x1: {  	s0 =	rddreg [dreg:$0x0]  }
0x2: {  	s1 =	rddreg [dreg:$0x1]  }
0x3: {  	s2 =	rddreg [dreg:$0x2]  }
0x4: {  	s3 =	srdreg.scid;
	s4 =	stileid.u32  }
0x5: {  	s8 =	rddreg [dreg:$0x3];
	s5 =	simm.s32 $0x0;
	s18 =	simm.s32 $0x68  }
0x6: {  	s28 =	simm.s32 $0x10280;
	s15 =	simm.s32 $0x3;
	s16 =	simm.s32 $0x4  }
0x7: {  	s29 =	simm.s32 $0x40;
	s31 =	simm.s32 $0x10;
	s14 =	simm.s32 $0xE  }
0x8: {  	s10 =	simm.s32 $0x6;
	s11 =	simm.s32 $0x7;
	s12 =	simm.s32 $0x8  }
0x9: {  	s13 =	simm.s32 $0xF;
	s30 =	simm.s32 $0x11;
	s3 =	sand.u32 $0x1, s3  }
0xa: {  	s4 =	sshll.u32 s4, $0x1;
	[smem:$0x7FF] =	sst s5;
	s5 =	sadd.s32 $0xF43000, s2  }
0xb: {  	s2 =	sadd.s32 $0xA00, s2;
	s9 =	sadd.s32 $0x6, s8;
	s6 =	sor.u32 s3, s4  }
0xc: {  	_ =	strace $0x80000047;
	s3 =	ssub.s32 $0x2, s3;
	s4 =	smul.u32 $0x6400, s6  }
0xd: {  	[dreg:$0x5] =	wrdreg s2;
	s7 =	smul.u32 $0x190000, s6;
	s20 =	sshrl.u32 s3, $0x1  }
0xe: {  	s22 =	sshll.u32 s6, $0x4;
	s2 =	ssub.s32 s3, s20;
	s20 =	simm.s32 $0x9  }
0xf: {  	s3 =	simm.s32 $0x0;
	s21 =	sshrl.u32 s4, $0x3;
	s7 =	sshrl.u32 s7, $0x3  }
0x10: {  	s26 =	smax.u32 s2, $0x1;
	s0 =	sadd.s32 s0, s21;
	s23 =	sadd.s32 s8, s7  }
0x11: {  	[dreg:$0xa] =	wrdreg s26;
	s21 =	simm.s32 $0x60;
	s7 =	simm.s32 $0xD  }
0x12: {  	s8 =	simm.s32 $0x5;
	[dreg:$0x6] =	wrdreg s0;
	s0 =	sadd.s32 s1, s22  }
0x13: {  	s26 =	simm.s32 $0xC;
	s24 =	sadd.s32 $0x31380, s23;
	[dreg:$0x7] =	wrdreg s0  }
0x14: {  	s25 =	sadd.s32 $0x31386, s23;
	s22 =	simm.s32 $0x6C80;
	[dreg:$0x8] =	wrdreg s24  }
0x15: {  	s23 =	simm.s32 $0xA;
	s1 =	simm.s32 $0x12;
	[dreg:$0x9] =	wrdreg s25  }
0x16: {  	s0 =	simm.s32 $0x2;
	s24 =	simm.s32 $0x30;
	s25 =	simm.s32 $0xB  }
.LBB2_1:
0x17: {  	[dreg:$0xb] =	wrdreg s3  }
0x18: {  	s2 =	simm.s32 $0x0;
	s17 =	rddreg [dreg:$0x6];
	s6 =	simm.s32 $0x13  }
0x19: {  	[tilespmem:s2], [sflag:$0x13] =	stream.linear.gather [hbm4b:s17+s2], $0x6400, $0x38;
	[tilespmem:$0x19880] =	vst v63  }
0x1a: {  	_ =	swait.ge [sflag:s6], $0x6400  }
0x1b: {  	[sflag:s6] =	ssyncset.done $0x0  }
0x1c: {  	s17 =	simm.s32 $0x6400;
	s19 =	rddreg [dreg:$0x7];
	[sflag:s6] =	ssyncadd.s32 $0xFFFF9C00  }
0x1d: {  	[tilespmem:s17], [sflag:$0x13] =	stream.linear.gather [hbm4b:s19+s2], $0x80, $0x38;
	[tilespmem:$0x19880] =	vst v63  }
0x1e: {  	_ =	swait.ge [sflag:s6], $0x80  }
0x1f: {  	s19 =	simm.s32 $0x6480;
	[sflag:s6] =	ssyncset.done $0x0  }
0x20: {  	s3 =	rddreg [dreg:$0x5];
	[sflag:s6] =	ssyncadd.s32 $0xFFFFFF80;
	s6 =	simm.s32 $0x80  }
0x21: {  	[tilespmem:s19], [sflag:$0x1] =	stream.indirect.gather [hbm4b:s3+s6], $0x10, s17, s6, $0xb8;
	[tilespmem:$0x19880] =	vst v63  }
0x22: {  	s19 =	simm.s32 $0x1  }
0x23: {  	_ =	swait.ge [sflag:s19], $0x800  }
0x24: {  	[sflag:s19] =	ssyncset.done $0x0  }
0x25: {  	[sflag:s19] =	ssyncadd.s32 $0xFFFFF800  }
0x26: {  	[tilespmem:s22], [sflag:$0x1] =	stream.indirect.gather [hbm4b:s5+s18], $0x30, s2, s18, $0xb8;
	[tilespmem:$0x19880] =	vst v63  }
0x27: {  	s6 =	simm.s32 $0x8000  }
0x28: {  	[tilespmem:s6], [sflag:$0x2] =	stream.indirect.gather [hbm4b:s5+s18], $0x30, s18, s18, $0xb8;
	[tilespmem:$0x19880] =	vst v63  }
0x29: {  	s17 =	simm.s32 $0xD0;
	s19 =	simm.s32 $0x9380  }
0x2a: {  	[tilespmem:s19], [sflag:$0x3] =	stream.indirect.gather [hbm4b:s5+s21], $0x30, s17, s21, $0xb8;
	[tilespmem:$0x19880] =	vst v63  }
0x2b: {  	s3 =	simm.s32 $0x130;
	s6 =	simm.s32 $0xA580  }
0x2c: {  	[tilespmem:s6], [sflag:$0x4] =	stream.indirect.gather [hbm4b:s5+s21], $0x30, s3, s21, $0xb8;
	[tilespmem:$0x19880] =	vst v63  }
0x2d: {  	s17 =	simm.s32 $0x190;
	s19 =	simm.s32 $0xB780  }
0x2e: {  	[tilespmem:s19], [sflag:$0x5] =	stream.indirect.gather [hbm4b:s5+s18], $0x30, s17, s18, $0xb8;
	[tilespmem:$0x19880] =	vst v63  }
0x2f: {  	s3 =	simm.s32 $0x1F8;
	s6 =	simm.s32 $0xCB00  }
0x30: {  	[tilespmem:s6], [sflag:$0x6] =	stream.indirect.gather [hbm4b:s5+s18], $0x30, s3, s18, $0xb8;
	[tilespmem:$0x19880] =	vst v63  }
0x31: {  	s17 =	simm.s32 $0x260;
	s19 =	simm.s32 $0xDE80  }
0x32: {  	[tilespmem:s19], [sflag:$0x7] =	stream.indirect.gather [hbm4b:s5+s21], $0x30, s17, s21, $0xb8;
	[tilespmem:$0x19880] =	vst v63  }
0x33: {  	s3 =	simm.s32 $0x2C0;
	s6 =	simm.s32 $0xF080  }
0x34: {  	[tilespmem:s6], [sflag:$0x8] =	stream.indirect.gather [hbm4b:s5+s21], $0x30, s3, s21, $0xb8;
	[tilespmem:$0x19880] =	vst v63  }
0x35: {  	s17 =	simm.s32 $0x320  }
0x36: {  	[tilespmem:s28], [sflag:$0x9] =	stream.indirect.gather [hbm4b:s5+s18], $0x30, s17, s18, $0xb8;
	[tilespmem:$0x19880] =	vst v63  }
0x37: {  	s19 =	simm.s32 $0x388;
	s28 =	simm.s32 $0x11600  }
0x38: {  	[tilespmem:s28], [sflag:$0xA] =	stream.indirect.gather [hbm4b:s5+s18], $0x30, s19, s18, $0xb8;
	[tilespmem:$0x19880] =	vst v63  }
0x39: {  	s6 =	simm.s32 $0x3F0;
	s17 =	simm.s32 $0x12980  }
0x3a: {  	[tilespmem:s17], [sflag:$0xB] =	stream.indirect.gather [hbm4b:s5+s21], $0x30, s6, s21, $0xb8;
	[tilespmem:$0x19880] =	vst v63  }
0x3b: {  	s3 =	simm.s32 $0x0;
	s19 =	simm.s32 $0x450;
	s28 =	simm.s32 $0x13B80  }
0x3c: {  	[tilespmem:s28], [sflag:$0xC] =	stream.indirect.gather [hbm4b:s5+s21], $0x30, s19, s21, $0xb8;
	[tilespmem:$0x19880] =	vst v63  }
.LBB2_2:
0x3d: {  	s2 =	simm.s32 $0x1  }
0x3e: {  	_ =	swait.ge [sflag:s2], $0x1380  }
0x3f: {  	[sflag:s2] =	ssyncset.done $0x0  }
0x40: {  	[sflag:s2] =	ssyncadd.s32 $0xFFFFEC80  }
0x41: {  	_ =	swait.ge [sflag:s0], $0x1380  }
0x42: {  	[sflag:s0] =	ssyncset.done $0x0  }
0x43: {  	[sflag:s0] =	ssyncadd.s32 $0xFFFFEC80  }
0x44: {  	_ =	swait.ge [sflag:s15], $0x1200  }
0x45: {  	[sflag:s15] =	ssyncset.done $0x0  }
0x46: {  	[sflag:s15] =	ssyncadd.s32 $0xFFFFEE00  }
0x47: {  	s28 =	smul.u32 $0x180, s3;
	_ =	swait.ge [sflag:s16], $0x1200  }
0x48: {  	[sflag:s16] =	ssyncset.done $0x0  }
0x49: {  	s6 =	sshra.s32 s28, $0x2;
	[sflag:s16] =	ssyncadd.s32 $0xFFFFEE00  }
0x4a: {  	v0 =	vld [tilespmem:s6+$0x6480];
	_ =	sdelay $0x3  }
0x4b: {  	s19 =	simm.s32 $0x40;
	s2 =	simm.s32 $0x0  }
.LBB2_3:
0x4c: {  	p0 =	sne.s32 s19, $0x31C0;
	[tilespmem:s2+$0x14D80] =	vst v0;
	s2 =	smov.u32 s19;
	s19 =	sadd.s32 $0x40, s19  }
.Ltmp0:
0x4d: {  	(pc) =	sbr.rel @p0 .LBB2_3-.Ltmp0, $2  }
0x4e: {  	_ =	sdelay $0x2  }
0x4f: {  	s2 =	sshra.s32 s2, $0x2  }
0x50: {  	[tilespmem:s2+$0x14D80] =	vst v0  }
0x51: {  	v0 =	vld [tilespmem:s6+$0x6490];
	_ =	sdelay $0x3  }
0x52: {  	s2 =	simm.s32 $0x0;
	s6 =	simm.s32 $0x40  }
.LBB2_5:
0x53: {  	p0 =	sne.s32 s6, $0x31C0;
	[tilespmem:s2+$0x15A00] =	vst v0;
	s2 =	smov.u32 s6;
	s6 =	sadd.s32 $0x40, s6  }
.Ltmp1:
0x54: {  	(pc) =	sbr.rel @p0 .LBB2_5-.Ltmp1, $2  }
0x55: {  	_ =	sdelay $0x2  }
0x56: {  	s2 =	sshra.s32 s2, $0x2  }
0x57: {  	s6 =	smul.u32 $0x4B0, s3;
	_ =	sdelay $0x1  }
0x58: {  	s17 =	sadd.s32 s4, s6  }
0x59: {  	s19 =	rddreg [dreg:$0x3];
	s17 =	sshll.u32 s17, $0x3  }
0x5a: {  	[tilespmem:s2+$0x15A00] =	vst v0;
	s2 =	sadd.s32 s19, s17  }
0x5b: {  	[hbm4b:s2+s24] =	stream.strided.scatter [tilespmem:s22], [sflag:$0xD], $0x4B00, s29, s24, $0x38;
	[tilespmem:$0x19880] =	vst v63  }
0x5c: {  	s17 =	sadd.s32 s17, s9;
	s19 =	simm.s32 $0x14D80  }
0x5d: {  	[hbm4b:s17+s31] =	stream.strided.scatter [tilespmem:s19], [sflag:$0xE], $0x1900, s29, s31, $0x38;
	[tilespmem:$0x19880] =	vst v63  }
0x5e: {  	_ =	swait.ge [sflag:s7], $0x4B00  }
0x5f: {  	[sflag:s7] =	ssyncset.done $0x0  }
0x60: {  	[sflag:s7] =	ssyncadd.s32 $0xFFFFB500  }
0x61: {  	_ =	swait.ge [sflag:s14], $0x1900  }
0x62: {  	[sflag:s14] =	ssyncset.done $0x0  }
0x63: {  	s17 =	sadd.s32 $0x4B0, s6;
	[sflag:s14] =	ssyncadd.s32 $0xFFFFE700  }
0x64: {  	[tilespmem:s22], [sflag:$0x1] =	stream.indirect.gather [hbm4b:s5+s18], $0x30, s17, s18, $0xb8;
	[tilespmem:$0x19880] =	vst v63  }
0x65: {  	s19 =	sadd.s32 $0x518, s6;
	s22 =	simm.s32 $0x8000  }
0x66: {  	[tilespmem:s22], [sflag:$0x2] =	stream.indirect.gather [hbm4b:s5+s18], $0x30, s19, s18, $0xb8;
	[tilespmem:$0x19880] =	vst v63  }
0x67: {  	s19 =	sadd.s32 $0x580, s6;
	s22 =	simm.s32 $0x9380  }
0x68: {  	[tilespmem:s22], [sflag:$0x3] =	stream.indirect.gather [hbm4b:s5+s21], $0x30, s19, s21, $0xb8;
	[tilespmem:$0x19880] =	vst v63  }
0x69: {  	s17 =	sadd.s32 $0x5E0, s6;
	s19 =	simm.s32 $0xA580  }
0x6a: {  	[tilespmem:s19], [sflag:$0x4] =	stream.indirect.gather [hbm4b:s5+s21], $0x30, s17, s21, $0xb8;
	[tilespmem:$0x19880] =	vst v63  }
0x6b: {  	_ =	swait.ge [sflag:s8], $0x1380  }
0x6c: {  	[sflag:s8] =	ssyncset.done $0x0  }
0x6d: {  	[sflag:s8] =	ssyncadd.s32 $0xFFFFEC80  }
0x6e: {  	_ =	swait.ge [sflag:s10], $0x1380  }
0x6f: {  	[sflag:s10] =	ssyncset.done $0x0  }
0x70: {  	[sflag:s10] =	ssyncadd.s32 $0xFFFFEC80  }
0x71: {  	_ =	swait.ge [sflag:s11], $0x1200  }
0x72: {  	s28 =	smul.u32 $0x3, s3;
	[sflag:s11] =	ssyncset.done $0x0  }
0x73: {  	[sflag:s11] =	ssyncadd.s32 $0xFFFFEE00  }
0x74: {  	s19 =	sadd.s32 $0x1, s28;
	_ =	swait.ge [sflag:s12], $0x1200  }
0x75: {  	s22 =	sshll.u32 s19, $0x5;
	[sflag:s12] =	ssyncset.done $0x0  }
0x76: {  	s22 =	sand.u32 $0x3FFFFFE0, s22;
	[sflag:s12] =	ssyncadd.s32 $0xFFFFEE00  }
0x77: {  	v0 =	vld [tilespmem:s22+$0x6480];
	_ =	sdelay $0x3  }
0x78: {  	s2 =	simm.s32 $0x40;
	s17 =	simm.s32 $0x0  }
.LBB2_7:
0x79: {  	p0 =	sne.s32 s2, $0x31C0;
	[tilespmem:s17+$0x16680] =	vst v0;
	s17 =	smov.u32 s2;
	s2 =	sadd.s32 $0x40, s2  }
.Ltmp2:
0x7a: {  	(pc) =	sbr.rel @p0 .LBB2_7-.Ltmp2, $2  }
0x7b: {  	_ =	sdelay $0x2  }
0x7c: {  	s17 =	sshra.s32 s17, $0x2  }
0x7d: {  	[tilespmem:s17+$0x16680] =	vst v0  }
0x7e: {  	v0 =	vld [tilespmem:s22+$0x6490];
	_ =	sdelay $0x3  }
0x7f: {  	s2 =	simm.s32 $0x40;
	s22 =	simm.s32 $0x0  }
.LBB2_9:
0x80: {  	p0 =	sne.s32 s2, $0x31C0;
	[tilespmem:s22+$0x17300] =	vst v0;
	s17 =	smov.u32 s2;
	s2 =	sadd.s32 $0x40, s2  }
.Ltmp3:
0x81: {  	(pc) =	sbr.rel @p0 .LBB2_9-.Ltmp3, $2  }
0x82: {  	_ =	sdelay $0x2  }
0x83: {  	s22 =	sshra.s32 s17, $0x2  }
0x84: {  	s2 =	smul.u32 $0x190, s19;
	_ =	sdelay $0x1  }
0x85: {  	s2 =	sadd.s32 s4, s2  }
0x86: {  	s17 =	rddreg [dreg:$0x3];
	s2 =	sshll.u32 s2, $0x3  }
0x87: {  	[tilespmem:s22+$0x17300] =	vst v0;
	s22 =	simm.s32 $0xB780;
	s17 =	sadd.s32 s17, s2  }
0x88: {  	[hbm4b:s17+s24] =	stream.strided.scatter [tilespmem:s22], [sflag:$0xF], $0x4B00, s29, s24, $0x38;
	[tilespmem:$0x19880] =	vst v63  }
0x89: {  	s2 =	sadd.s32 s2, s9;
	s22 =	simm.s32 $0x16680  }
0x8a: {  	[hbm4b:s2+s31] =	stream.strided.scatter [tilespmem:s22], [sflag:$0x10], $0x1900, s29, s31, $0x38;
	[tilespmem:$0x19880] =	vst v63  }
0x8b: {  	_ =	swait.ge [sflag:s13], $0x4B00  }
0x8c: {  	[sflag:s13] =	ssyncset.done $0x0  }
0x8d: {  	[sflag:s13] =	ssyncadd.s32 $0xFFFFB500  }
0x8e: {  	p0 =	seq.s32 s3, $0x14;
	_ =	swait.ge [sflag:s31], $0x1900  }
0x8f: {  	s19 =	simm.s32 @!p0 $0xB780;
	[sflag:s31] =	ssyncset.done $0x0  }
0x90: {  	s17 =	simm.s32 @!p0 $0x68;
	s2 =	sadd.s32 @!p0 $0x640, s6;
	[sflag:s31] =	ssyncadd.s32 $0xFFFFE700  }
0x91: {  	[tilespmem:s19], [sflag:$0x5] =	stream.indirect.gather @!p0 [hbm4b:s5+s17], $0x30, s2, s17, $0xb8;
	[tilespmem:$0x19880] =	vst v63  }
0x92: {  	s2 =	sadd.s32 @!p0 $0x6A8, s6;
	s19 =	simm.s32 @!p0 $0xCB00  }
0x93: {  	[tilespmem:s19], [sflag:$0x6] =	stream.indirect.gather @!p0 [hbm4b:s5+s17], $0x30, s2, s17, $0xb8;
	[tilespmem:$0x19880] =	vst v63  }
0x94: {  	s2 =	sadd.s32 @!p0 $0x710, s6;
	s17 =	simm.s32 @!p0 $0x60;
	s19 =	simm.s32 @!p0 $0xDE80  }
0x95: {  	[tilespmem:s19], [sflag:$0x7] =	stream.indirect.gather @!p0 [hbm4b:s5+s17], $0x30, s2, s17, $0xb8;
	[tilespmem:$0x19880] =	vst v63  }
0x96: {  	s2 =	sadd.s32 @!p0 $0x770, s6;
	s19 =	simm.s32 @!p0 $0xF080  }
0x97: {  	[tilespmem:s19], [sflag:$0x8] =	stream.indirect.gather @!p0 [hbm4b:s5+s17], $0x30, s2, s17, $0xb8;
	[tilespmem:$0x19880] =	vst v63  }
0x98: {  	_ =	swait.ge [sflag:s20], $0x1380  }
0x99: {  	[sflag:s20] =	ssyncset.done $0x0  }
0x9a: {  	[sflag:s20] =	ssyncadd.s32 $0xFFFFEC80  }
0x9b: {  	_ =	swait.ge [sflag:s23], $0x1380  }
0x9c: {  	[sflag:s23] =	ssyncset.done $0x0  }
0x9d: {  	[sflag:s23] =	ssyncadd.s32 $0xFFFFEC80  }
0x9e: {  	_ =	swait.ge [sflag:s25], $0x1200  }
0x9f: {  	[sflag:s25] =	ssyncset.done $0x0  }
0xa0: {  	[sflag:s25] =	ssyncadd.s32 $0xFFFFEE00  }
0xa1: {  	s19 =	sadd.s32 $0x2, s28;
	_ =	swait.ge [sflag:s26], $0x1200  }
0xa2: {  	s28 =	sshll.u32 s19, $0x5;
	[sflag:s26] =	ssyncset.done $0x0  }
0xa3: {  	s22 =	sand.u32 $0x3FFFFFE0, s28;
	[sflag:s26] =	ssyncadd.s32 $0xFFFFEE00  }
0xa4: {  	v0 =	vld [tilespmem:s22+$0x6480];
	_ =	sdelay $0x3  }
0xa5: {  	s2 =	simm.s32 $0x40;
	s17 =	simm.s32 $0x0  }
.LBB2_11:
0xa6: {  	p1 =	sne.s32 s2, $0x31C0;
	[tilespmem:s17+$0x17F80] =	vst v0;
	s17 =	smov.u32 s2;
	s2 =	sadd.s32 $0x40, s2  }
.Ltmp4:
0xa7: {  	(pc) =	sbr.rel @p1 .LBB2_11-.Ltmp4, $2  }
0xa8: {  	_ =	sdelay $0x2  }
0xa9: {  	s17 =	sshra.s32 s17, $0x2  }
0xaa: {  	[tilespmem:s17+$0x17F80] =	vst v0  }
0xab: {  	v0 =	vld [tilespmem:s22+$0x6490];
	_ =	sdelay $0x3  }
0xac: {  	s2 =	simm.s32 $0x40;
	s28 =	simm.s32 $0x10280;
	s22 =	simm.s32 $0x0  }
.LBB2_13:
0xad: {  	p1 =	sne.s32 s2, $0x31C0;
	[tilespmem:s22+$0x18C00] =	vst v0;
	s17 =	smov.u32 s2;
	s2 =	sadd.s32 $0x40, s2  }
.Ltmp5:
0xae: {  	(pc) =	sbr.rel @p1 .LBB2_13-.Ltmp5, $2  }
0xaf: {  	_ =	sdelay $0x2  }
0xb0: {  	s22 =	sshra.s32 s17, $0x2  }
0xb1: {  	s2 =	smul.u32 $0x190, s19;
	_ =	sdelay $0x1  }
0xb2: {  	s2 =	sadd.s32 s4, s2  }
0xb3: {  	s17 =	rddreg [dreg:$0x3];
	s2 =	sshll.u32 s2, $0x3  }
0xb4: {  	[tilespmem:s22+$0x18C00] =	vst v0;
	s17 =	sadd.s32 s17, s2  }
0xb5: {  	[hbm4b:s17+s24] =	stream.strided.scatter [tilespmem:s28], [sflag:$0x11], $0x4B00, s29, s24, $0x38;
	[tilespmem:$0x19880] =	vst v63  }
0xb6: {  	s22 =	simm.s32 $0x17F80;
	s2 =	sadd.s32 s2, s9  }
0xb7: {  	[hbm4b:s2+s31] =	stream.strided.scatter [tilespmem:s22], [sflag:$0x12], $0x1900, s29, s31, $0x38;
	[tilespmem:$0x19880] =	vst v63  }
0xb8: {  	_ =	swait.ge [sflag:s30], $0x4B00  }
.Ltmp6:
0xb9: {  	[sflag:s30] =	ssyncset.done $0x0;
	(pc) =	sbr.rel @p0 .LBB2_16-.Ltmp6, $4  }
0xba: {  	[sflag:s30] =	ssyncadd.s32 $0xFFFFB500  }
0xbb: {  	_ =	swait.ge [sflag:s1], $0x1900  }
0xbc: {  	[sflag:s1] =	ssyncset.done $0x0  }
0xbd: {  	[sflag:s1] =	ssyncadd.s32 $0xFFFFE700  }
0xbe: {  	s2 =	sadd.s32 $0x7D0, s6  }
0xbf: {  	[tilespmem:s28], [sflag:$0x9] =	stream.indirect.gather [hbm4b:s5+s18], $0x30, s2, s18, $0xb8;
	[tilespmem:$0x19880] =	vst v63  }
0xc0: {  	s17 =	simm.s32 $0x11600;
	s28 =	sadd.s32 $0x838, s6  }
0xc1: {  	[tilespmem:s17], [sflag:$0xA] =	stream.indirect.gather [hbm4b:s5+s18], $0x30, s28, s18, $0xb8;
	[tilespmem:$0x19880] =	vst v63  }
.Ltmp7:
0xc2: {  	s19 =	simm.s32 $0x12980;
	s17 =	sadd.s32 $0x8A0, s6;
	(pc) =	sbr.rel .LBB2_2-.Ltmp7, $4  }
0xc3: {  	[tilespmem:s19], [sflag:$0xB] =	stream.indirect.gather [hbm4b:s5+s21], $0x30, s17, s21, $0xb8;
	[tilespmem:$0x19880] =	vst v63  }
0xc4: {  	s22 =	sadd.s32 $0x900, s6;
	s28 =	simm.s32 $0x13B80  }
0xc5: {  	[tilespmem:s28], [sflag:$0xC] =	stream.indirect.gather [hbm4b:s5+s21], $0x30, s22, s21, $0xb8;
	[tilespmem:$0x19880] =	vst v63  }
0xc6: {  	s3 =	sadd.s32 $0x1, s3;
	s22 =	simm.s32 $0x6C80  }
.LBB2_16:
0xc7: {  	s2 =	simm.s32 $0x1  }
0xc8: {  	_ =	swait.ge [sflag:s2], $0x1380  }
0xc9: {  	[sflag:s2] =	ssyncset.done $0x0  }
0xca: {  	[sflag:s2] =	ssyncadd.s32 $0xFFFFEC80  }
0xcb: {  	_ =	swait.ge [sflag:s0], $0x1380  }
0xcc: {  	[sflag:s0] =	ssyncset.done $0x0  }
0xcd: {  	[sflag:s0] =	ssyncadd.s32 $0xFFFFEC80  }
0xce: {  	_ =	swait.ge [sflag:s15], $0x1200  }
0xcf: {  	[sflag:s15] =	ssyncset.done $0x0  }
0xd0: {  	[sflag:s15] =	ssyncadd.s32 $0xFFFFEE00  }
0xd1: {  	_ =	swait.ge [sflag:s16], $0x1200  }
0xd2: {  	[sflag:s16] =	ssyncset.done $0x0  }
0xd3: {  	[sflag:s16] =	ssyncadd.s32 $0xFFFFEE00  }
0xd4: {  	v0 =	vld [tilespmem:$0x6C60];
	_ =	sdelay $0x3  }
0xd5: {  	s3 =	simm.s32 $0x0;
	s22 =	simm.s32 $0x6C80;
	s2 =	simm.s32 $0x40  }
.LBB2_17:
0xd6: {  	p0 =	sne.s32 s2, $0x31C0;
	[tilespmem:s3+$0x14D80] =	vst v0;
	s3 =	smov.u32 s2;
	s2 =	sadd.s32 $0x40, s2  }
.Ltmp8:
0xd7: {  	(pc) =	sbr.rel @p0 .LBB2_17-.Ltmp8, $2  }
0xd8: {  	_ =	sdelay $0x2  }
0xd9: {  	s3 =	sshra.s32 s3, $0x2  }
0xda: {  	[tilespmem:s3+$0x14D80] =	vst v0  }
0xdb: {  	v0 =	vld [tilespmem:$0x6C70];
	_ =	sdelay $0x3  }
0xdc: {  	s2 =	simm.s32 $0x40;
	s3 =	simm.s32 $0x0  }
.LBB2_19:
0xdd: {  	p0 =	sne.s32 s2, $0x31C0;
	[tilespmem:s3+$0x15A00] =	vst v0;
	s3 =	smov.u32 s2;
	s2 =	sadd.s32 $0x40, s2  }
.Ltmp9:
0xde: {  	(pc) =	sbr.rel @p0 .LBB2_19-.Ltmp9, $2  }
0xdf: {  	_ =	sdelay $0x2  }
0xe0: {  	s3 =	sshra.s32 s3, $0x2  }
0xe1: {  	[tilespmem:s3+$0x15A00] =	vst v0;
	s2 =	rddreg [dreg:$0x8]  }
0xe2: {  	[hbm4b:s2+s24] =	stream.strided.scatter [tilespmem:s22], [sflag:$0xD], $0x4B00, s29, s24, $0x38;
	[tilespmem:$0x19880] =	vst v63  }
0xe3: {  	s3 =	rddreg [dreg:$0x9];
	s6 =	simm.s32 $0x14D80  }
0xe4: {  	[hbm4b:s3+s31] =	stream.strided.scatter [tilespmem:s6], [sflag:$0xE], $0x1900, s29, s31, $0x38;
	[tilespmem:$0x19880] =	vst v63  }
0xe5: {  	_ =	swait.ge [sflag:s7], $0x4B00  }
0xe6: {  	[sflag:s7] =	ssyncset.done $0x0  }
0xe7: {  	[sflag:s7] =	ssyncadd.s32 $0xFFFFB500  }
0xe8: {  	_ =	swait.ge [sflag:s14], $0x1900  }
0xe9: {  	s17 =	rddreg [dreg:$0xb]  }
0xea: {  	s19 =	rddreg [dreg:$0xa];
	s3 =	sadd.s32 $0x1, s17  }
0xeb: {  	p0 =	sne.s32 s3, s19  }
.Ltmp10:
0xec: {  	_ = 	snop;
	(pc) =	sbr.rel @p0 .LBB2_1-.Ltmp10, $3  }
0xed: {  	_ =	sdelay $0x1  }
0xee: {  	[sflag:s14] =	ssyncset.done $0x0  }
0xef: {  	[sflag:s14] =	ssyncadd.s32 $0xFFFFE700  }
0xf0: {  	_ =	sfence.sel $0x180000  }
0xf1: {  	[bflag:$0x0] =	sbarrier.arrive $0xFFFF  }
0xf2: {  	_ =	strace $0x90000047  }
0xf3: {  	s0 =	stileid.u32;
	[bflag:$0x2] =	sbarrier.arrive $0xFFFF  }
0xf4: {  	p0 =	sne.s32 s0, $0x0;
	s0 =	rddreg [dreg:$0x4]  }
0xf5: {  	s0 =	sadd.s32 @!p0 $0x100000, s0  }
0xf6: {  	[sflag:s0] =	ssyncadd.tile.s32 @!p0 $0x1;
	_ =	shalt  }
.Lfunc_end2:
_tile_overlayer_lowered:
.L_overlay_start_2:
0xf7: {  	(tag) =	ssettag $0x2  }
0xf8: {  	s0 =	rddreg [dreg:$0x0];
	s2 =	stileid.u32  }
0xf9: {  	s1 =	rddreg [dreg:$0x1];
	p0 =	sne.s32 s2, $0x0  }
0xfa: {  	s3 =	rddreg [dreg:$0x2];
	[bflag:$0x3] =	sbarrier.arrive $0xFFFF;
	s2 =	simm.s32 @!p0 $0x1C13  }
0xfb: {  	[timem:s3], [sflag:s2] =	dma.local @!p0 [hbm:s0], s1  }
0xfc: {  	s0 =	simm.s32 @!p0 $0x13  }
0xfd: {  	_ =	swait.ge @!p0 [sflag:s0], s1  }
0xfe: {  	s1 =	ssub.s32 @!p0 $0x0, s1;
	[sflag:s0] =	ssyncset.done @!p0 $0x0  }
0xff: {  	[sflag:s0] =	ssyncadd.s32 @!p0 s1  }
0x100: {  	[bflag:$0x3] =	sbarrier.arrive $0xFFFF  }
0x101: {  	_ =	shalt  }

// kernel: sparse-core-data-format-call.cloned.1.call-start
scs
called_computation_lowered:
.L_overlay_start_0:
0x0: {  	s2 =	sld [smem:$0x3FD9]  }
0x1: {  	s3 =	sld [smem:$0x3FFE];
	_ =	sdelay $0x1  }
0x2: {  	s1 =	srdreg.scid  }
0x3: {  	s0 =	sand.u32 $0x1, s1  }
0x4: {  	s18 =	sshll.u32 s0, $0xA;
	s2 =	sadd.s32 s3, s2  }
0x5: {  	s2 =	sadd.s32 s2, s18  }
0x6: {  	[smem:$0x3FC4] =	sst s2  }
0x7: {  	_ = 	snop  }
0x8: {  	s2 =	sld [smem:$0x3FD0];
	(tm) =	ssettm $0x1  }
0x9: {  	s19 =	sld [smem:$0x3FFB];
	_ =	sdelay $0x3  }
0xa: {  	_ =	strace s19  }
0xb: {  	s3 =	sld [smem:$0x3FFC];
	_ =	sdelay $0x3  }
0xc: {  	_ =	strace s3  }
0xd: {  	s3 =	sld [smem:$0x3FFD];
	_ =	sdelay $0x3  }
0xe: {  	_ =	strace s3  }
0xf: {  	_ =	strace $0x8FFFFFFF  }
0x10: {  	s20 =	sld [smem:$0x3FDB];
	_ =	sdelay $0x1  }
0x11: {  	s4 =	simm.s32 $_scs_section_size  }
0x12: {  	s5 =	simm.s32 $_size__tile_overlayer_lowered;
	s6 =	simm.s32 $_tile_overlayer_lowered  }
0x13: {  	s23 =	simm.s32 $0x1BFF;
	s22 =	sshll.u32 s6, $0x1;
	s3 =	sadd.s32 s4, s20  }
0x14: {  	s7 =	simm.s32 $0x0;
	s21 =	sshll.u32 s5, $0x1;
	s5 =	sadd.s32 s22, s3  }
0x15: {  	[timem:s7], [sflag:s23] =	dma.local [hbm:s5], s21  }
0x16: {  	_ =	swait.ge [sflag:s23], s21  }
0x17: {  	s4 =	ssub.s32 $0x0, s21;
	[sflag:s23] =	ssyncset.done $0x0  }
0x18: {  	[sflag:s23] =	ssyncadd.s32 s4;
	_ =	sdelay $0x1  }
0x19: {  	s24 =	simm.s32 $0x1B8B  }
0x1a: {  	_ =	swait.ge [sflag:s24], $0x1  }
0x1b: {  	[sflag:s24] =	ssyncset.done $0x0  }
0x1c: {  	s26 =	simm.s32 $0x1B8E;
	s25 =	sld [smem:$0x3FFE];
	[sflag:s24] =	ssyncadd.s32 $0xFFFFFFFF  }
0x1d: {  	s27 =	simm.s32 $execute0_lowered;
	[smem:$0x3FD2] =	sst s26  }
0x1e: {  	s5 =	sshll.u32 s27, $0x1;
	_ =	strace $0x80000049;
	[dreg:$0x1] =	wrdreg $0xFFFFFFFF  }
0x1f: {  	s28 =	simm.s32 $_size_execute0_lowered;
	s3 =	sadd.s32 s3, s5;
	[dreg:$0x0] =	wrdreg $0x0  }
0x20: {  	s5 =	sshll.u32 s28, $0x1;
	[dreg:$0x2] =	wrdreg s3  }
0x21: {  	[dreg:$0x3] =	wrdreg s5  }
0x22: {  	[dreg:$0x4] =	wrdreg $0xC0  }
0x23: {  	_ =	task [dreg:s7], $0x5FFFF  }
0x24: {  	[dreg:$0x1] =	wrdreg $0xFFFFFFFF  }
0x25: {  	[dreg:$0x0] =	wrdreg $0x60  }
0x26: {  	[dreg:$0x2] =	wrdreg s25  }
0x27: {  	[dreg:$0x3] =	wrdreg s2  }
0x28: {  	[dreg:$0x4] =	wrdreg $0x9  }
0x29: {  	_ =	task.clear_ibuf [dreg:s7], $0x5FFFF;
	_ =	strace $0x90000049  }
0x2a: {  	s29 =	simm.s32 $0x9;
	_ =	strace $0x8000004B  }
0x2b: {  	_ =	swait.ge [sflag:s29], $0x1  }
0x2c: {  	[sflag:s29] =	ssyncadd.s32 $0xFFFFFFFF  }
0x2d: {  	_ =	strace $0x9000004B  }
0x2e: {  	_ =	sfence  }
0x2f: {  	s30 =	sld [smem:$0x0];
	_ =	sdelay $0x2  }
0x30: {  	s31 =	sshll.u32 s1, $0xD;
	s1 =	sshrl.u32 s1, $0x2  }
0x31: {  	s3 =	sand.u32 $0x4000, s31;
	s1 =	sadd.s32 s1, s30  }
0x32: {  	s0 =	sor.u32 s3, s0;
	s1 =	sshll.u32 s1, $0x11  }
0x33: {  	s0 =	sor.u32 s1, s0  }
0x34: {  	s0 =	sadd.s32 $0x8F2B, s0  }
0x35: {  	[sflag:s0] =	ssyncadd.remote.s32 $0x1  }
0x36: {  	_ =	sfence.sel $0xFFFF  }
0x37: {  	[dreg:$0x0] =	wrdreg $0xFFFFFFFF;
	(pc) =	sbr.abs _section_cstart, $3  }
0x38: {  	[dreg:$0x1] =	wrdreg $0xFFFFFFFF  }
0x39: {  	_ =	task.clear_ibuf [dreg:s7], $0x2FFFF;
	_ =	strace $0x9FFFFFFF  }
0x3a: {  	(tm) =	ssettm $0x7FFFFFFF  }
0x3b: {  	_ =	shalt  }
tec
execute0_lowered:
.L_overlay_start_1:
0x0: {  	(tag) =	ssettag $0x1  }
0x1: {  	s0 =	srdreg.scid  }
0x2: {  	s1 =	sshll.u32 s0, $0x4  }
0x3: {  	s4 =	rddreg [dreg:$0x0];
	s0 =	stileid.u32;
	s1 =	sand.u32 $0x10, s1  }
0x4: {  	s2 =	rddreg [dreg:$0x1];
	s7 =	simm.s32 $0x1;
	s1 =	sor.u32 s0, s1  }
0x5: {  	s8 =	simm.s32 $0x2;
	s11 =	simm.s32 $0x0;
	s3 =	sshll.u32 s1, $0x7  }
0x6: {  	s10 =	simm.s32 $0x0;
	s4 =	sadd.s32 $0xA00, s4;
	s6 =	ssub.s32 $0xC8000, s3  }
.Ltmp0:
0x7: {  	s1 =	rddreg [dreg:$0x2];
	s5 =	sand.u32 $0xF80, s6;
	(pc) =	sbr.rel .LBB1_1-.Ltmp0, $4  }
0x8: {  	_ =	strace $0x8000004A;
	s9 =	smov.u32 s3;
	p0 =	sne.s32 s5, $0x0  }
0x9: {  	s6 =	sshrl.u32 s6, $0xC;
	s5 =	simm.s32 $0x1;
	s7 =	simm.s32 @!p0 $0x0  }
0xa: {  	[sflag:s5] =	ssyncpa.u1 $0x0;
	p0 =	por $0x0, $0x0;
	s6 =	sadd.s32 s7, s6  }
0xb: {  	[sflag:s8] =	ssyncpa.u1 $0x0;
	s8 =	simm.s32 $0x640000;
	s7 =	sadd.s32 $0x1, s6  }
.LBB1_4:
0xc: {  	s14 =	sshll.u32 s11, $0x3  }
0xd: {  	s30 =	sand.u32 $0x7F, s11;
	s15 =	sand.u32 $0xFFFFFC00, s14  }
0xe: {  	s11 =	sor.u32 s30, s15  }
0xf: {  	s15 =	smulhi.u32 $0x51EB851F, s11  }
0x10: {  	s14 =	smulhi.u32 $0x51EB851F, s14  }
0x11: {  	s15 =	sshrl.u32 s15, $0x12  }
0x12: {  	s14 =	sshrl.u32 s14, $0x12;
	s15 =	smul.u32 $0xC8000, s15  }
0x13: {  	s14 =	sand.u32 $0x3F, s14  }
0x14: {  	s14 =	smul.u32 $0x19000, s14;
	s11 =	ssub.s32 s11, s15  }
0x15: {  	[tilespmem:s13+$0x810 ss:$0x81] =	vst.msk $0xffff, v2;
	s15 =	sand.u32 $0x7, s11  }
0x16: {  	[tilespmem:s13+$0x1020 ss:$0x81] =	vst.msk $0xffff, v0;
	s14 =	sadd.s32 s2, s14;
	s11 =	sshrl.u32 s11, $0x3;
	s15 =	sshll.u32 s15, $0x12  }
0x17: {  	[tilespmem:s13+$0x0 ss:$0x81] =	vst.msk $0xffff, v1;
	s11 =	sadd.s32 s11, s14;
	s31 =	sor.u32 $0x400, s15  }
0x18: {  	[hbm4b:s11+s31] =	stream.strided.scatter [tilespmem:s12], [sflag:$0x2], $0x2000, s8, s31, $0x20;
	[tilespmem:$0x8080] =	vst v63  }
.LBB1_5:
0x19: {  	s13 =	sadd.s32 $0x1000, s9  }
0x1a: {  	p2 =	sgt.s32 s13, $0xC7FFF  }
0x1b: {  	s13 =	smov.u32 @p2 s3;
	p2 =	sne.s32 s10, s7  }
.Ltmp1:
0x1c: {  	p1 =	slt.u32 s10, $0x2;
	(pc) =	sbr.rel @!p2 .LBB1_6-.Ltmp1, $4  }
0x1d: {  	s12 =	simm.s32 @!p1 $0x2  }
0x1e: {  	s14 =	sadd.s32 $0x1, s10;
	_ =	swait.ge @!p1 [sflag:s12], $0x2000  }
0x1f: {  	s11 =	smov.u32 s9;
	p0 =	por !p0, !p0;
	[sflag:s12] =	ssyncset.done @!p1 $0x0  }
0x20: {  	s10 =	smov.u32 s14;
	s9 =	smov.u32 s13;
	[sflag:s12] =	ssyncadd.s32 @!p1 $0xFFFFE000  }
.LBB1_1:
0x21: {  	p1 =	sge.u32 s10, s6  }
0x22: {  	s12 =	sand.u32 @!p1 $0x1FFFFFF, s9  }
0x23: {  	s13 =	smulhi.u32 @!p1 $0x147AE15, s12;
	_ =	sdelay $0x1  }
0x24: {  	s13 =	sshrl.u32 @!p1 s13, $0xC  }
0x25: {  	s13 =	smul.u32 @!p1 $0xC8000, s13;
	_ =	sdelay $0x1  }
0x26: {  	s31 =	sadd.s32 $0xFFFFFFFF, s10;
	s14 =	sxor.u32 @!p1 $0xFFFFFFFF, s10;
	s12 =	ssub.s32 @!p1 s12, s13  }
0x27: {  	s15 =	simm.s32 @!p1 $0x80;
	s14 =	sshll.u32 @!p1 s14, $0xD;
	s12 =	sshll.u32 @!p1 s12, $0x4  }
0x28: {  	s13 =	sand.u32 @!p1 $0x2000, s14;
	s14 =	simm.s32 @!p1 $0x40;
	s12 =	sadd.s32 @!p1 s4, s12  }
0x29: {  	[tilespmem:s13], [sflag:$0x1] =	stream.strided.gather @!p1 [hbm4b:s12+s14], $0x2000, s15, s14, $0x38;
	[tilespmem:$0x8080] =	vst v63  }
0x2a: {  	p1 =	sge.u32 s31, s6  }
.Ltmp2:
0x2b: {  	_ = 	snop;
	(pc) =	sbr.rel @p1 .LBB1_5-.Ltmp2, $1  }
0x2c: {  	_ =	sdelay $0x3  }
0x2d: {  	s12 =	simm.s32 $0x1  }
0x2e: {  	_ =	swait.ge [sflag:s5], $0x2000;
	s12 =	simm.s32 @!p0 $0x0  }
0x2f: {  	[sflag:s5] =	ssyncset.done $0x0;
	s13 =	sshll.u32 s12, $0xD  }
0x30: {  	[sflag:s5] =	ssyncadd.s32 $0xFFFFE000;
	s16 =	sor.u32 $0x20, s13  }
0x31: {  	s12 =	smul.u32 $0x8100, s12;
	v3 =	vld [tilespmem:s16+$0x10]  }
0x32: {  	s30 =	sand.u32 $0x1, s10;
	v2 =	vld [tilespmem:s16+$0xFFFFFFF0]  }
0x33: {  	s13 =	smul.u32 $0x8100, s30;
	s12 =	sshrl.u32 s12, $0x2;
	v0 =	vld [tilespmem:s16+$0x0]  }
0x34: {  	v1 =	vld [tilespmem:s16+$0xFFFFFFE0];
	s14 =	sor.u32 $0x4000, s12  }
0x35: {  	s31 =	sshrl.u32 s13, $0x2;
	s13 =	sadd.s32 $0x0, s14  }
0x36: {  	s15 =	simm.s32 $0x4;
	s16 =	sadd.s32 $0x40, s16;
	s12 =	sor.u32 $0x4000, s31;
	[tilespmem:s13+$0x1830 ss:$0x81] =	vst.msk $0xffff, v3  }
.LBB1_3:
0x37: {  	v3 =	vld [tilespmem:s16+$0x10];
	p1 =	sne.s32 s15, $0x1FC;
	[tilespmem:s13+$0x810 ss:$0x81] =	vst.msk $0xffff, v2;
	s17 =	smov.u32 s15;
	s15 =	sadd.s32 $0x4, s15  }
.Ltmp3:
0x38: {  	v2 =	vld [tilespmem:s16+$0xFFFFFFF0];
	[tilespmem:s13+$0x1020 ss:$0x81] =	vst.msk $0xffff, v0;
	(pc) =	sbr.rel @p1 .LBB1_3-.Ltmp3, $4  }
0x39: {  	v0 =	vld [tilespmem:s16+$0x0];
	[tilespmem:s13+$0x0 ss:$0x81] =	vst.msk $0xffff, v1  }
0x3a: {  	s13 =	sshra.s32 s17, $0x2;
	v1 =	vld [tilespmem:s16+$0xFFFFFFE0]  }
0x3b: {  	s13 =	sadd.s32 s13, s14  }
0x3c: {  	s16 =	sadd.s32 $0x40, s16;
	[tilespmem:s13+$0x1830 ss:$0x81] =	vst.msk $0xffff, v3  }
.Ltmp4:
0x3d: {  	_ = 	snop;
	(pc) =	sbr.rel .LBB1_4-.Ltmp4, $1  }
0x3e: {  	_ =	sdelay $0x3  }
.LBB1_6:
0x3f: {  	_ =	sfence.sel $0x180000  }
0x40: {  	s2 =	simm.s32 $0x1;
	[bflag:$0x0] =	sbarrier.arrive $0xFFFF  }
0x41: {  	s31 =	simm.s32 $0x2;
	[sflag:s2] =	ssyncpa.u1 $0x1  }
0x42: {  	[sflag:s31] =	ssyncpa.u1 $0x1  }
0x43: {  	p0 =	sne.s32 s0, $0x0;
	_ =	strace $0x9000004A  }
0x44: {  	s0 =	sadd.s32 @!p0 $0x100000, s1;
	[bflag:$0x2] =	sbarrier.arrive $0xFFFF  }
0x45: {  	[sflag:s0] =	ssyncadd.tile.s32 @!p0 $0x1;
	_ =	shalt  }
.Lfunc_end1:
_tile_overlayer_lowered:
.L_overlay_start_2:
0x46: {  	(tag) =	ssettag $0x2  }
0x47: {  	s0 =	rddreg [dreg:$0x0];
	s2 =	stileid.u32  }
0x48: {  	s1 =	rddreg [dreg:$0x1];
	p0 =	sne.s32 s2, $0x0  }
0x49: {  	s3 =	rddreg [dreg:$0x2];
	[bflag:$0x3] =	sbarrier.arrive $0xFFFF;
	s2 =	simm.s32 @!p0 $0x1C01  }
0x4a: {  	[timem:s3], [sflag:s2] =	dma.local @!p0 [hbm:s0], s1  }
0x4b: {  	s0 =	simm.s32 @!p0 $0x1  }
0x4c: {  	_ =	swait.ge @!p0 [sflag:s0], s1  }
0x4d: {  	s1 =	ssub.s32 @!p0 $0x0, s1;
	[sflag:s0] =	ssyncset.done @!p0 $0x0  }
0x4e: {  	[sflag:s0] =	ssyncadd.s32 @!p0 s1  }
0x4f: {  	[bflag:$0x3] =	sbarrier.arrive $0xFFFF  }
0x50: {  	_ =	shalt  }

</sc_bundles>
